<compile_context>
chip_gen: v7x
topology: tpu7x:2x2x1
jax: 0.10.2.dev20260603
libtpu: 0.0.44.dev20260713+nightly
codegen_flags: <defaults>
</compile_context>

<pallas_src>
import functools

import jax
import jax.numpy as jnp
from jax import lax
from jax.experimental import pallas as pl
from jax.experimental.pallas import tpu as pltpu
from jax.experimental.pallas import tpu_sc as plsc

D_MODEL = 2048
TOKENS = 8192

_info = plsc.get_sparse_core_info()
_NC = _info.num_cores
_NS = _info.num_subcores
_NW = _NC * _NS
_BPW = TOKENS // _NW
_CHUNK = 16
_NCHUNK = _BPW // _CHUNK
_NBUF = 3

_mesh = plsc.VectorSubcoreMesh(core_axis_name="c", subcore_axis_name="s")


@functools.partial(
    pl.kernel,
    mesh=_mesh,
    out_type=jax.ShapeDtypeStruct((TOKENS, D_MODEL), jnp.float32),
    scratch_types=[
        pltpu.VMEM((_BPW,), jnp.int32),
    ] + [pltpu.VMEM((_CHUNK, D_MODEL), jnp.float32)] * _NBUF
      + [pltpu.SemaphoreType.DMA] * (2 * _NBUF),
)
def _embed_gather(table_hbm, idx_hbm, out_hbm, idx_v, *bufs_and_sems):
    rows = bufs_and_sems[:_NBUF]
    gsem = bufs_and_sems[_NBUF:2 * _NBUF]
    osem = bufs_and_sems[2 * _NBUF:]

    wid = lax.axis_index("s") * _NC + lax.axis_index("c")
    base = wid * _BPW
    pltpu.sync_copy(idx_hbm.at[pl.ds(base, _BPW)], idx_v)

    g_copy = [None] * _NBUF
    o_copy = [None] * _NBUF

    for j in range(_NBUF - 1):
        g_copy[j] = pltpu.async_copy(
            table_hbm.at[idx_v.at[pl.ds(j * _CHUNK, _CHUNK)]], rows[j],
            gsem[j])
    for j in range(_NCHUNK):
        cur = j % _NBUF
        nj = j + _NBUF - 1
        if nj < _NCHUNK:
            b = nj % _NBUF
            if o_copy[b] is not None:
                o_copy[b].wait()
            g_copy[b] = pltpu.async_copy(
                table_hbm.at[idx_v.at[pl.ds(nj * _CHUNK, _CHUNK)]], rows[b],
                gsem[b])
        g_copy[cur].wait()
        o_copy[cur] = pltpu.async_copy(
            rows[cur], out_hbm.at[pl.ds(base + j * _CHUNK, _CHUNK)], osem[cur])
    for b in range(_NBUF):
        if o_copy[b] is not None:
            o_copy[b].wait()


def kernel(input_ids, positions, embed_table):
    del positions
    return _embed_gather(embed_table, input_ids.astype(jnp.int32))

# --- scband reference (transcript-rebuilt; emitter-appended) ---
"""Pipeline reference for scband-input-processor-base-88235808129233 (READ-ONLY COPY).

The authoritative reference and input builder live on the scoring server;
editing this copy changes nothing except your own understanding.
"""

import jax, jax.numpy as jnp
import numpy as np

VOCAB = 100000
D_MODEL = 2048
TOKENS = 8192

def setup_inputs(seed: int = 0) -> dict:
    key = jax.random.key(seed)
    k1, k2 = jax.random.split(key)
    input_ids = jax.random.randint(k1, (TOKENS,), 0, VOCAB, dtype=jnp.int64 if jax.config.jax_enable_x64 else jnp.int32)
    positions = jnp.arange(TOKENS, dtype=input_ids.dtype)
    embed_table = jax.random.normal(k2, (VOCAB, D_MODEL), dtype=jnp.float32) * 0.02
    return {"input_ids": input_ids, "positions": positions, "embed_table": embed_table}

def reference(input_ids, positions, embed_table):
    # Faithful to InputProcessorBase.forward with input_embeds=None:
    # return self.base_lm.model.embed_tokens(input_ids)
    # positions and forward_batch are unused on this path.
    return jnp.take(embed_table, input_ids, axis=0)

if __name__ == "__main__":
    import jax
    _d = setup_inputs()
    print(jax.jit(kernel)(*tuple(_d.values())))

</pallas_src>

<mosaic_0001>
#map = affine_map<(d0, d1) -> (0, 0)>
#map1 = affine_map<(d0, d1) -> (0)>
module attributes {stable_mosaic.version = 14 : i64} {
  func.func @_embed_gather(%arg0: i32, %arg1: i32, %arg2: memref<100000x2048xf32, #tpu.memory_space<hbm>>, %arg3: memref<8192xi32, #tpu.memory_space<hbm>>, %arg4: memref<8192x2048xf32, #tpu.memory_space<hbm>>, %arg5: memref<256xi32, #tpu.memory_space<vmem>>, %arg6: memref<16x2048xf32, #tpu.memory_space<vmem>>, %arg7: memref<16x2048xf32, #tpu.memory_space<vmem>>, %arg8: memref<16x2048xf32, #tpu.memory_space<vmem>>, %arg9: memref<!tpu.dma_semaphore, #tpu.memory_space<semaphore_mem>>, %arg10: memref<!tpu.dma_semaphore, #tpu.memory_space<semaphore_mem>>, %arg11: memref<!tpu.dma_semaphore, #tpu.memory_space<semaphore_mem>>, %arg12: memref<!tpu.dma_semaphore, #tpu.memory_space<semaphore_mem>>, %arg13: memref<!tpu.dma_semaphore, #tpu.memory_space<semaphore_mem>>, %arg14: memref<!tpu.dma_semaphore, #tpu.memory_space<semaphore_mem>>) attributes {dimension_semantics = [#tpu.dimension_semantics<core_parallel>, #tpu.dimension_semantics<subcore_parallel>], iteration_bounds = array<i64: 2, 16>, scalar_prefetch = 0 : i64, scratch_operands = 10 : i64, tpu.core_type = #tpu.core_type<sc_vector_subcore>, window_params = [{transform_indices = #map}, {transform_indices = #map1}, {transform_indices = #map}]} {
    %mul3A = arith.constant 2 : i32
    %mul3A_0 = arith.muli %arg1, %mul3A : i32
    %add3A = arith.addi %mul3A_0, %arg0 : i32
    %mul3A_1 = arith.constant 256 : i32
    %mul3A_2 = arith.muli %add3A, %mul3A_1 : i32
    "tpu.region"() ({
      %run_scoped3A = tpu.sem_alloc : memref<!tpu.dma_semaphore, #tpu.memory_space<semaphore_mem>>
      %dma_start3A_321 = tpu.memref_slice %arg3[%mul3A_2] : memref<8192xi32, #tpu.memory_space<hbm>> -> memref<256xi32, #tpu.memory_space<hbm>>
      %dma_start3A_322 = tpu.memref_slice %arg3[%mul3A_2] : memref<8192xi32, #tpu.memory_space<hbm>> -> memref<256xi32, #tpu.memory_space<hbm>>
      tpu.enqueue_dma source(%dma_start3A_322 : memref<256xi32, #tpu.memory_space<hbm>>) target(%arg5 : memref<256xi32, #tpu.memory_space<vmem>>) target_semaphore(%run_scoped3A : memref<!tpu.dma_semaphore, #tpu.memory_space<semaphore_mem>>)
      %dma_wait3A_323 = tpu.memref_slice %arg3[%mul3A_2] : memref<8192xi32, #tpu.memory_space<hbm>> -> memref<256xi32, #tpu.memory_space<hbm>>
      %dma_wait3A_324 = tpu.memref_slice %arg3[%mul3A_2] : memref<8192xi32, #tpu.memory_space<hbm>> -> memref<256xi32, #tpu.memory_space<hbm>>
      tpu.wait_dma2 semaphore(%run_scoped3A : memref<!tpu.dma_semaphore, #tpu.memory_space<semaphore_mem>>) src(%dma_wait3A_324 : memref<256xi32, #tpu.memory_space<hbm>>) dst(%arg5 : memref<256xi32, #tpu.memory_space<vmem>>)
      tpu.yield
    }) : () -> ()
    %dma_start3A = arith.constant 0 : i32
    %dma_start3A_3 = tpu.memref_slice %arg5[%dma_start3A] : memref<256xi32, #tpu.memory_space<vmem>> -> memref<16xi32, #tpu.memory_space<vmem>>
    %dma_start3A_4 = arith.constant 0 : i32
    %dma_start3A_5 = arith.constant 0 : i32
    %dma_start3A_6 = tpu.memref_slice %arg2[%dma_start3A_4, %dma_start3A_5] : memref<100000x2048xf32, #tpu.memory_space<hbm>> -> memref<100000x2048xf32, #tpu.memory_space<hbm>>
    tpu.enqueue_indirect_dma source(%dma_start3A_6 : memref<100000x2048xf32, #tpu.memory_space<hbm>>) target(%arg6 : memref<16x2048xf32, #tpu.memory_space<vmem>>) offsets(%dma_start3A_3 : memref<16xi32, #tpu.memory_space<vmem>>) semaphore(%arg9 : memref<!tpu.dma_semaphore, #tpu.memory_space<semaphore_mem>>)
    %dma_start3A_7 = arith.constant 16 : i32
    %dma_start3A_8 = tpu.memref_slice %arg5[%dma_start3A_7] : memref<256xi32, #tpu.memory_space<vmem>> -> memref<16xi32, #tpu.memory_space<vmem>>
    %dma_start3A_9 = arith.constant 0 : i32
    %dma_start3A_10 = arith.constant 0 : i32
    %dma_start3A_11 = tpu.memref_slice %arg2[%dma_start3A_9, %dma_start3A_10] : memref<100000x2048xf32, #tpu.memory_space<hbm>> -> memref<100000x2048xf32, #tpu.memory_space<hbm>>
    tpu.enqueue_indirect_dma source(%dma_start3A_11 : memref<100000x2048xf32, #tpu.memory_space<hbm>>) target(%arg7 : memref<16x2048xf32, #tpu.memory_space<vmem>>) offsets(%dma_start3A_8 : memref<16xi32, #tpu.memory_space<vmem>>) semaphore(%arg10 : memref<!tpu.dma_semaphore, #tpu.memory_space<semaphore_mem>>)
    %dma_start3A_12 = arith.constant 32 : i32
    %dma_start3A_13 = tpu.memref_slice %arg5[%dma_start3A_12] : memref<256xi32, #tpu.memory_space<vmem>> -> memref<16xi32, #tpu.memory_space<vmem>>
    %dma_start3A_14 = arith.constant 0 : i32
    %dma_start3A_15 = arith.constant 0 : i32
    %dma_start3A_16 = tpu.memref_slice %arg2[%dma_start3A_14, %dma_start3A_15] : memref<100000x2048xf32, #tpu.memory_space<hbm>> -> memref<100000x2048xf32, #tpu.memory_space<hbm>>
    tpu.enqueue_indirect_dma source(%dma_start3A_16 : memref<100000x2048xf32, #tpu.memory_space<hbm>>) target(%arg8 : memref<16x2048xf32, #tpu.memory_space<vmem>>) offsets(%dma_start3A_13 : memref<16xi32, #tpu.memory_space<vmem>>) semaphore(%arg11 : memref<!tpu.dma_semaphore, #tpu.memory_space<semaphore_mem>>)
    %dma_wait3A = arith.constant 0 : i32
    %dma_wait3A_17 = tpu.memref_slice %arg5[%dma_wait3A] : memref<256xi32, #tpu.memory_space<vmem>> -> memref<16xi32, #tpu.memory_space<vmem>>
    %dma_wait3A_18 = arith.constant 0 : i32
    %dma_wait3A_19 = arith.constant 0 : i32
    %dma_wait3A_20 = tpu.memref_slice %arg2[%dma_wait3A_18, %dma_wait3A_19] : memref<100000x2048xf32, #tpu.memory_space<hbm>> -> memref<100000x2048xf32, #tpu.memory_space<hbm>>
    tpu.wait_indirect_dma semaphore(%arg9 : memref<!tpu.dma_semaphore, #tpu.memory_space<semaphore_mem>>) src(%dma_wait3A_20 : memref<100000x2048xf32, #tpu.memory_space<hbm>>) dst(%arg6 : memref<16x2048xf32, #tpu.memory_space<vmem>>)
    %add3A_21 = arith.constant 0 : i32
    %add3A_22 = arith.addi %mul3A_2, %add3A_21 : i32
    %dma_start3A_23 = arith.constant 0 : i32
    %dma_start3A_24 = tpu.memref_slice %arg4[%add3A_22, %dma_start3A_23] : memref<8192x2048xf32, #tpu.memory_space<hbm>> -> memref<16x2048xf32, #tpu.memory_space<hbm>>
    %dma_start3A_25 = arith.constant 0 : i32
    %dma_start3A_26 = tpu.memref_slice %arg4[%add3A_22, %dma_start3A_25] : memref<8192x2048xf32, #tpu.memory_space<hbm>> -> memref<16x2048xf32, #tpu.memory_space<hbm>>
    tpu.enqueue_dma source(%arg6 : memref<16x2048xf32, #tpu.memory_space<vmem>>) target(%dma_start3A_26 : memref<16x2048xf32, #tpu.memory_space<hbm>>) target_semaphore(%arg12 : memref<!tpu.dma_semaphore, #tpu.memory_space<semaphore_mem>>)
    %dma_wait3A_27 = arith.constant 0 : i32
    %dma_wait3A_28 = tpu.memref_slice %arg4[%add3A_22, %dma_wait3A_27] : memref<8192x2048xf32, #tpu.memory_space<hbm>> -> memref<16x2048xf32, #tpu.memory_space<hbm>>
    %dma_wait3A_29 = arith.constant 0 : i32
    %dma_wait3A_30 = tpu.memref_slice %arg4[%add3A_22, %dma_wait3A_29] : memref<8192x2048xf32, #tpu.memory_space<hbm>> -> memref<16x2048xf32, #tpu.memory_space<hbm>>
    tpu.wait_dma2 semaphore(%arg12 : memref<!tpu.dma_semaphore, #tpu.memory_space<semaphore_mem>>) src(%arg6 : memref<16x2048xf32, #tpu.memory_space<vmem>>) dst(%dma_wait3A_30 : memref<16x2048xf32, #tpu.memory_space<hbm>>)
    %dma_start3A_31 = arith.constant 48 : i32
    %dma_start3A_32 = tpu.memref_slice %arg5[%dma_start3A_31] : memref<256xi32, #tpu.memory_space<vmem>> -> memref<16xi32, #tpu.memory_space<vmem>>
    %dma_start3A_33 = arith.constant 0 : i32
    %dma_start3A_34 = arith.constant 0 : i32
    %dma_start3A_35 = tpu.memref_slice %arg2[%dma_start3A_33, %dma_start3A_34] : memref<100000x2048xf32, #tpu.memory_space<hbm>> -> memref<100000x2048xf32, #tpu.memory_space<hbm>>
    tpu.enqueue_indirect_dma source(%dma_start3A_35 : memref<100000x2048xf32, #tpu.memory_space<hbm>>) target(%arg6 : memref<16x2048xf32, #tpu.memory_space<vmem>>) offsets(%dma_start3A_32 : memref<16xi32, #tpu.memory_space<vmem>>) semaphore(%arg9 : memref<!tpu.dma_semaphore, #tpu.memory_space<semaphore_mem>>)
    %dma_wait3A_36 = arith.constant 16 : i32
    %dma_wait3A_37 = tpu.memref_slice %arg5[%dma_wait3A_36] : memref<256xi32, #tpu.memory_space<vmem>> -> memref<16xi32, #tpu.memory_space<vmem>>
    %dma_wait3A_38 = arith.constant 0 : i32
    %dma_wait3A_39 = arith.constant 0 : i32
    %dma_wait3A_40 = tpu.memref_slice %arg2[%dma_wait3A_38, %dma_wait3A_39] : memref<100000x2048xf32, #tpu.memory_space<hbm>> -> memref<100000x2048xf32, #tpu.memory_space<hbm>>
    tpu.wait_indirect_dma semaphore(%arg10 : memref<!tpu.dma_semaphore, #tpu.memory_space<semaphore_mem>>) src(%dma_wait3A_40 : memref<100000x2048xf32, #tpu.memory_space<hbm>>) dst(%arg7 : memref<16x2048xf32, #tpu.memory_space<vmem>>)
    %add3A_41 = arith.constant 16 : i32
    %add3A_42 = arith.addi %mul3A_2, %add3A_41 : i32
    %dma_start3A_43 = arith.constant 0 : i32
    %dma_start3A_44 = tpu.memref_slice %arg4[%add3A_42, %dma_start3A_43] : memref<8192x2048xf32, #tpu.memory_space<hbm>> -> memref<16x2048xf32, #tpu.memory_space<hbm>>
    %dma_start3A_45 = arith.constant 0 : i32
    %dma_start3A_46 = tpu.memref_slice %arg4[%add3A_42, %dma_start3A_45] : memref<8192x2048xf32, #tpu.memory_space<hbm>> -> memref<16x2048xf32, #tpu.memory_space<hbm>>
    tpu.enqueue_dma source(%arg7 : memref<16x2048xf32, #tpu.memory_space<vmem>>) target(%dma_start3A_46 : memref<16x2048xf32, #tpu.memory_space<hbm>>) target_semaphore(%arg13 : memref<!tpu.dma_semaphore, #tpu.memory_space<semaphore_mem>>)
    %dma_wait3A_47 = arith.constant 0 : i32
    %dma_wait3A_48 = tpu.memref_slice %arg4[%add3A_42, %dma_wait3A_47] : memref<8192x2048xf32, #tpu.memory_space<hbm>> -> memref<16x2048xf32, #tpu.memory_space<hbm>>
    %dma_wait3A_49 = arith.constant 0 : i32
    %dma_wait3A_50 = tpu.memref_slice %arg4[%add3A_42, %dma_wait3A_49] : memref<8192x2048xf32, #tpu.memory_space<hbm>> -> memref<16x2048xf32, #tpu.memory_space<hbm>>
    tpu.wait_dma2 semaphore(%arg13 : memref<!tpu.dma_semaphore, #tpu.memory_space<semaphore_mem>>) src(%arg7 : memref<16x2048xf32, #tpu.memory_space<vmem>>) dst(%dma_wait3A_50 : memref<16x2048xf32, #tpu.memory_space<hbm>>)
    %dma_start3A_51 = arith.constant 64 : i32
    %dma_start3A_52 = tpu.memref_slice %arg5[%dma_start3A_51] : memref<256xi32, #tpu.memory_space<vmem>> -> memref<16xi32, #tpu.memory_space<vmem>>
    %dma_start3A_53 = arith.constant 0 : i32
    %dma_start3A_54 = arith.constant 0 : i32
    %dma_start3A_55 = tpu.memref_slice %arg2[%dma_start3A_53, %dma_start3A_54] : memref<100000x2048xf32, #tpu.memory_space<hbm>> -> memref<100000x2048xf32, #tpu.memory_space<hbm>>
    tpu.enqueue_indirect_dma source(%dma_start3A_55 : memref<100000x2048xf32, #tpu.memory_space<hbm>>) target(%arg7 : memref<16x2048xf32, #tpu.memory_space<vmem>>) offsets(%dma_start3A_52 : memref<16xi32, #tpu.memory_space<vmem>>) semaphore(%arg10 : memref<!tpu.dma_semaphore, #tpu.memory_space<semaphore_mem>>)
    %dma_wait3A_56 = arith.constant 32 : i32
    %dma_wait3A_57 = tpu.memref_slice %arg5[%dma_wait3A_56] : memref<256xi32, #tpu.memory_space<vmem>> -> memref<16xi32, #tpu.memory_space<vmem>>
    %dma_wait3A_58 = arith.constant 0 : i32
    %dma_wait3A_59 = arith.constant 0 : i32
    %dma_wait3A_60 = tpu.memref_slice %arg2[%dma_wait3A_58, %dma_wait3A_59] : memref<100000x2048xf32, #tpu.memory_space<hbm>> -> memref<100000x2048xf32, #tpu.memory_space<hbm>>
    tpu.wait_indirect_dma semaphore(%arg11 : memref<!tpu.dma_semaphore, #tpu.memory_space<semaphore_mem>>) src(%dma_wait3A_60 : memref<100000x2048xf32, #tpu.memory_space<hbm>>) dst(%arg8 : memref<16x2048xf32, #tpu.memory_space<vmem>>)
    %add3A_61 = arith.constant 32 : i32
    %add3A_62 = arith.addi %mul3A_2, %add3A_61 : i32
    %dma_start3A_63 = arith.constant 0 : i32
    %dma_start3A_64 = tpu.memref_slice %arg4[%add3A_62, %dma_start3A_63] : memref<8192x2048xf32, #tpu.memory_space<hbm>> -> memref<16x2048xf32, #tpu.memory_space<hbm>>
    %dma_start3A_65 = arith.constant 0 : i32
    %dma_start3A_66 = tpu.memref_slice %arg4[%add3A_62, %dma_start3A_65] : memref<8192x2048xf32, #tpu.memory_space<hbm>> -> memref<16x2048xf32, #tpu.memory_space<hbm>>
    tpu.enqueue_dma source(%arg8 : memref<16x2048xf32, #tpu.memory_space<vmem>>) target(%dma_start3A_66 : memref<16x2048xf32, #tpu.memory_space<hbm>>) target_semaphore(%arg14 : memref<!tpu.dma_semaphore, #tpu.memory_space<semaphore_mem>>)
    %dma_wait3A_67 = arith.constant 0 : i32
    %dma_wait3A_68 = tpu.memref_slice %arg4[%add3A_62, %dma_wait3A_67] : memref<8192x2048xf32, #tpu.memory_space<hbm>> -> memref<16x2048xf32, #tpu.memory_space<hbm>>
    %dma_wait3A_69 = arith.constant 0 : i32
    %dma_wait3A_70 = tpu.memref_slice %arg4[%add3A_62, %dma_wait3A_69] : memref<8192x2048xf32, #tpu.memory_space<hbm>> -> memref<16x2048xf32, #tpu.memory_space<hbm>>
    tpu.wait_dma2 semaphore(%arg14 : memref<!tpu.dma_semaphore, #tpu.memory_space<semaphore_mem>>) src(%arg8 : memref<16x2048xf32, #tpu.memory_space<vmem>>) dst(%dma_wait3A_70 : memref<16x2048xf32, #tpu.memory_space<hbm>>)
    %dma_start3A_71 = arith.constant 80 : i32
    %dma_start3A_72 = tpu.memref_slice %arg5[%dma_start3A_71] : memref<256xi32, #tpu.memory_space<vmem>> -> memref<16xi32, #tpu.memory_space<vmem>>
    %dma_start3A_73 = arith.constant 0 : i32
    %dma_start3A_74 = arith.constant 0 : i32
    %dma_start3A_75 = tpu.memref_slice %arg2[%dma_start3A_73, %dma_start3A_74] : memref<100000x2048xf32, #tpu.memory_space<hbm>> -> memref<100000x2048xf32, #tpu.memory_space<hbm>>
    tpu.enqueue_indirect_dma source(%dma_start3A_75 : memref<100000x2048xf32, #tpu.memory_space<hbm>>) target(%arg8 : memref<16x2048xf32, #tpu.memory_space<vmem>>) offsets(%dma_start3A_72 : memref<16xi32, #tpu.memory_space<vmem>>) semaphore(%arg11 : memref<!tpu.dma_semaphore, #tpu.memory_space<semaphore_mem>>)
    %dma_wait3A_76 = arith.constant 48 : i32
    %dma_wait3A_77 = tpu.memref_slice %arg5[%dma_wait3A_76] : memref<256xi32, #tpu.memory_space<vmem>> -> memref<16xi32, #tpu.memory_space<vmem>>
    %dma_wait3A_78 = arith.constant 0 : i32
    %dma_wait3A_79 = arith.constant 0 : i32
    %dma_wait3A_80 = tpu.memref_slice %arg2[%dma_wait3A_78, %dma_wait3A_79] : memref<100000x2048xf32, #tpu.memory_space<hbm>> -> memref<100000x2048xf32, #tpu.memory_space<hbm>>
    tpu.wait_indirect_dma semaphore(%arg9 : memref<!tpu.dma_semaphore, #tpu.memory_space<semaphore_mem>>) src(%dma_wait3A_80 : memref<100000x2048xf32, #tpu.memory_space<hbm>>) dst(%arg6 : memref<16x2048xf32, #tpu.memory_space<vmem>>)
    %add3A_81 = arith.constant 48 : i32
    %add3A_82 = arith.addi %mul3A_2, %add3A_81 : i32
    %dma_start3A_83 = arith.constant 0 : i32
    %dma_start3A_84 = tpu.memref_slice %arg4[%add3A_82, %dma_start3A_83] : memref<8192x2048xf32, #tpu.memory_space<hbm>> -> memref<16x2048xf32, #tpu.memory_space<hbm>>
    %dma_start3A_85 = arith.constant 0 : i32
    %dma_start3A_86 = tpu.memref_slice %arg4[%add3A_82, %dma_start3A_85] : memref<8192x2048xf32, #tpu.memory_space<hbm>> -> memref<16x2048xf32, #tpu.memory_space<hbm>>
    tpu.enqueue_dma source(%arg6 : memref<16x2048xf32, #tpu.memory_space<vmem>>) target(%dma_start3A_86 : memref<16x2048xf32, #tpu.memory_space<hbm>>) target_semaphore(%arg12 : memref<!tpu.dma_semaphore, #tpu.memory_space<semaphore_mem>>)
    %dma_wait3A_87 = arith.constant 0 : i32
    %dma_wait3A_88 = tpu.memref_slice %arg4[%add3A_82, %dma_wait3A_87] : memref<8192x2048xf32, #tpu.memory_space<hbm>> -> memref<16x2048xf32, #tpu.memory_space<hbm>>
    %dma_wait3A_89 = arith.constant 0 : i32
    %dma_wait3A_90 = tpu.memref_slice %arg4[%add3A_82, %dma_wait3A_89] : memref<8192x2048xf32, #tpu.memory_space<hbm>> -> memref<16x2048xf32, #tpu.memory_space<hbm>>
    tpu.wait_dma2 semaphore(%arg12 : memref<!tpu.dma_semaphore, #tpu.memory_space<semaphore_mem>>) src(%arg6 : memref<16x2048xf32, #tpu.memory_space<vmem>>) dst(%dma_wait3A_90 : memref<16x2048xf32, #tpu.memory_space<hbm>>)
    %dma_start3A_91 = arith.constant 96 : i32
    %dma_start3A_92 = tpu.memref_slice %arg5[%dma_start3A_91] : memref<256xi32, #tpu.memory_space<vmem>> -> memref<16xi32, #tpu.memory_space<vmem>>
    %dma_start3A_93 = arith.constant 0 : i32
    %dma_start3A_94 = arith.constant 0 : i32
    %dma_start3A_95 = tpu.memref_slice %arg2[%dma_start3A_93, %dma_start3A_94] : memref<100000x2048xf32, #tpu.memory_space<hbm>> -> memref<100000x2048xf32, #tpu.memory_space<hbm>>
    tpu.enqueue_indirect_dma source(%dma_start3A_95 : memref<100000x2048xf32, #tpu.memory_space<hbm>>) target(%arg6 : memref<16x2048xf32, #tpu.memory_space<vmem>>) offsets(%dma_start3A_92 : memref<16xi32, #tpu.memory_space<vmem>>) semaphore(%arg9 : memref<!tpu.dma_semaphore, #tpu.memory_space<semaphore_mem>>)
    %dma_wait3A_96 = arith.constant 64 : i32
    %dma_wait3A_97 = tpu.memref_slice %arg5[%dma_wait3A_96] : memref<256xi32, #tpu.memory_space<vmem>> -> memref<16xi32, #tpu.memory_space<vmem>>
    %dma_wait3A_98 = arith.constant 0 : i32
    %dma_wait3A_99 = arith.constant 0 : i32
    %dma_wait3A_100 = tpu.memref_slice %arg2[%dma_wait3A_98, %dma_wait3A_99] : memref<100000x2048xf32, #tpu.memory_space<hbm>> -> memref<100000x2048xf32, #tpu.memory_space<hbm>>
    tpu.wait_indirect_dma semaphore(%arg10 : memref<!tpu.dma_semaphore, #tpu.memory_space<semaphore_mem>>) src(%dma_wait3A_100 : memref<100000x2048xf32, #tpu.memory_space<hbm>>) dst(%arg7 : memref<16x2048xf32, #tpu.memory_space<vmem>>)
    %add3A_101 = arith.constant 64 : i32
    %add3A_102 = arith.addi %mul3A_2, %add3A_101 : i32
    %dma_start3A_103 = arith.constant 0 : i32
    %dma_start3A_104 = tpu.memref_slice %arg4[%add3A_102, %dma_start3A_103] : memref<8192x2048xf32, #tpu.memory_space<hbm>> -> memref<16x2048xf32, #tpu.memory_space<hbm>>
    %dma_start3A_105 = arith.constant 0 : i32
    %dma_start3A_106 = tpu.memref_slice %arg4[%add3A_102, %dma_start3A_105] : memref<8192x2048xf32, #tpu.memory_space<hbm>> -> memref<16x2048xf32, #tpu.memory_space<hbm>>
    tpu.enqueue_dma source(%arg7 : memref<16x2048xf32, #tpu.memory_space<vmem>>) target(%dma_start3A_106 : memref<16x2048xf32, #tpu.memory_space<hbm>>) target_semaphore(%arg13 : memref<!tpu.dma_semaphore, #tpu.memory_space<semaphore_mem>>)
    %dma_wait3A_107 = arith.constant 0 : i32
    %dma_wait3A_108 = tpu.memref_slice %arg4[%add3A_102, %dma_wait3A_107] : memref<8192x2048xf32, #tpu.memory_space<hbm>> -> memref<16x2048xf32, #tpu.memory_space<hbm>>
    %dma_wait3A_109 = arith.constant 0 : i32
    %dma_wait3A_110 = tpu.memref_slice %arg4[%add3A_102, %dma_wait3A_109] : memref<8192x2048xf32, #tpu.memory_space<hbm>> -> memref<16x2048xf32, #tpu.memory_space<hbm>>
    tpu.wait_dma2 semaphore(%arg13 : memref<!tpu.dma_semaphore, #tpu.memory_space<semaphore_mem>>) src(%arg7 : memref<16x2048xf32, #tpu.memory_space<vmem>>) dst(%dma_wait3A_110 : memref<16x2048xf32, #tpu.memory_space<hbm>>)
    %dma_start3A_111 = arith.constant 112 : i32
    %dma_start3A_112 = tpu.memref_slice %arg5[%dma_start3A_111] : memref<256xi32, #tpu.memory_space<vmem>> -> memref<16xi32, #tpu.memory_space<vmem>>
    %dma_start3A_113 = arith.constant 0 : i32
    %dma_start3A_114 = arith.constant 0 : i32
    %dma_start3A_115 = tpu.memref_slice %arg2[%dma_start3A_113, %dma_start3A_114] : memref<100000x2048xf32, #tpu.memory_space<hbm>> -> memref<100000x2048xf32, #tpu.memory_space<hbm>>
    tpu.enqueue_indirect_dma source(%dma_start3A_115 : memref<100000x2048xf32, #tpu.memory_space<hbm>>) target(%arg7 : memref<16x2048xf32, #tpu.memory_space<vmem>>) offsets(%dma_start3A_112 : memref<16xi32, #tpu.memory_space<vmem>>) semaphore(%arg10 : memref<!tpu.dma_semaphore, #tpu.memory_space<semaphore_mem>>)
    %dma_wait3A_116 = arith.constant 80 : i32
    %dma_wait3A_117 = tpu.memref_slice %arg5[%dma_wait3A_116] : memref<256xi32, #tpu.memory_space<vmem>> -> memref<16xi32, #tpu.memory_space<vmem>>
    %dma_wait3A_118 = arith.constant 0 : i32
    %dma_wait3A_119 = arith.constant 0 : i32
    %dma_wait3A_120 = tpu.memref_slice %arg2[%dma_wait3A_118, %dma_wait3A_119] : memref<100000x2048xf32, #tpu.memory_space<hbm>> -> memref<100000x2048xf32, #tpu.memory_space<hbm>>
    tpu.wait_indirect_dma semaphore(%arg11 : memref<!tpu.dma_semaphore, #tpu.memory_space<semaphore_mem>>) src(%dma_wait3A_120 : memref<100000x2048xf32, #tpu.memory_space<hbm>>) dst(%arg8 : memref<16x2048xf32, #tpu.memory_space<vmem>>)
    %add3A_121 = arith.constant 80 : i32
    %add3A_122 = arith.addi %mul3A_2, %add3A_121 : i32
    %dma_start3A_123 = arith.constant 0 : i32
    %dma_start3A_124 = tpu.memref_slice %arg4[%add3A_122, %dma_start3A_123] : memref<8192x2048xf32, #tpu.memory_space<hbm>> -> memref<16x2048xf32, #tpu.memory_space<hbm>>
    %dma_start3A_125 = arith.constant 0 : i32
    %dma_start3A_126 = tpu.memref_slice %arg4[%add3A_122, %dma_start3A_125] : memref<8192x2048xf32, #tpu.memory_space<hbm>> -> memref<16x2048xf32, #tpu.memory_space<hbm>>
    tpu.enqueue_dma source(%arg8 : memref<16x2048xf32, #tpu.memory_space<vmem>>) target(%dma_start3A_126 : memref<16x2048xf32, #tpu.memory_space<hbm>>) target_semaphore(%arg14 : memref<!tpu.dma_semaphore, #tpu.memory_space<semaphore_mem>>)
    %dma_wait3A_127 = arith.constant 0 : i32
    %dma_wait3A_128 = tpu.memref_slice %arg4[%add3A_122, %dma_wait3A_127] : memref<8192x2048xf32, #tpu.memory_space<hbm>> -> memref<16x2048xf32, #tpu.memory_space<hbm>>
    %dma_wait3A_129 = arith.constant 0 : i32
    %dma_wait3A_130 = tpu.memref_slice %arg4[%add3A_122, %dma_wait3A_129] : memref<8192x2048xf32, #tpu.memory_space<hbm>> -> memref<16x2048xf32, #tpu.memory_space<hbm>>
    tpu.wait_dma2 semaphore(%arg14 : memref<!tpu.dma_semaphore, #tpu.memory_space<semaphore_mem>>) src(%arg8 : memref<16x2048xf32, #tpu.memory_space<vmem>>) dst(%dma_wait3A_130 : memref<16x2048xf32, #tpu.memory_space<hbm>>)
    %dma_start3A_131 = arith.constant 128 : i32
    %dma_start3A_132 = tpu.memref_slice %arg5[%dma_start3A_131] : memref<256xi32, #tpu.memory_space<vmem>> -> memref<16xi32, #tpu.memory_space<vmem>>
    %dma_start3A_133 = arith.constant 0 : i32
    %dma_start3A_134 = arith.constant 0 : i32
    %dma_start3A_135 = tpu.memref_slice %arg2[%dma_start3A_133, %dma_start3A_134] : memref<100000x2048xf32, #tpu.memory_space<hbm>> -> memref<100000x2048xf32, #tpu.memory_space<hbm>>
    tpu.enqueue_indirect_dma source(%dma_start3A_135 : memref<100000x2048xf32, #tpu.memory_space<hbm>>) target(%arg8 : memref<16x2048xf32, #tpu.memory_space<vmem>>) offsets(%dma_start3A_132 : memref<16xi32, #tpu.memory_space<vmem>>) semaphore(%arg11 : memref<!tpu.dma_semaphore, #tpu.memory_space<semaphore_mem>>)
    %dma_wait3A_136 = arith.constant 96 : i32
    %dma_wait3A_137 = tpu.memref_slice %arg5[%dma_wait3A_136] : memref<256xi32, #tpu.memory_space<vmem>> -> memref<16xi32, #tpu.memory_space<vmem>>
    %dma_wait3A_138 = arith.constant 0 : i32
    %dma_wait3A_139 = arith.constant 0 : i32
    %dma_wait3A_140 = tpu.memref_slice %arg2[%dma_wait3A_138, %dma_wait3A_139] : memref<100000x2048xf32, #tpu.memory_space<hbm>> -> memref<100000x2048xf32, #tpu.memory_space<hbm>>
    tpu.wait_indirect_dma semaphore(%arg9 : memref<!tpu.dma_semaphore, #tpu.memory_space<semaphore_mem>>) src(%dma_wait3A_140 : memref<100000x2048xf32, #tpu.memory_space<hbm>>) dst(%arg6 : memref<16x2048xf32, #tpu.memory_space<vmem>>)
    %add3A_141 = arith.constant 96 : i32
    %add3A_142 = arith.addi %mul3A_2, %add3A_141 : i32
    %dma_start3A_143 = arith.constant 0 : i32
    %dma_start3A_144 = tpu.memref_slice %arg4[%add3A_142, %dma_start3A_143] : memref<8192x2048xf32, #tpu.memory_space<hbm>> -> memref<16x2048xf32, #tpu.memory_space<hbm>>
    %dma_start3A_145 = arith.constant 0 : i32
    %dma_start3A_146 = tpu.memref_slice %arg4[%add3A_142, %dma_start3A_145] : memref<8192x2048xf32, #tpu.memory_space<hbm>> -> memref<16x2048xf32, #tpu.memory_space<hbm>>
    tpu.enqueue_dma source(%arg6 : memref<16x2048xf32, #tpu.memory_space<vmem>>) target(%dma_start3A_146 : memref<16x2048xf32, #tpu.memory_space<hbm>>) target_semaphore(%arg12 : memref<!tpu.dma_semaphore, #tpu.memory_space<semaphore_mem>>)
    %dma_wait3A_147 = arith.constant 0 : i32
    %dma_wait3A_148 = tpu.memref_slice %arg4[%add3A_142, %dma_wait3A_147] : memref<8192x2048xf32, #tpu.memory_space<hbm>> -> memref<16x2048xf32, #tpu.memory_space<hbm>>
    %dma_wait3A_149 = arith.constant 0 : i32
    %dma_wait3A_150 = tpu.memref_slice %arg4[%add3A_142, %dma_wait3A_149] : memref<8192x2048xf32, #tpu.memory_space<hbm>> -> memref<16x2048xf32, #tpu.memory_space<hbm>>
    tpu.wait_dma2 semaphore(%arg12 : memref<!tpu.dma_semaphore, #tpu.memory_space<semaphore_mem>>) src(%arg6 : memref<16x2048xf32, #tpu.memory_space<vmem>>) dst(%dma_wait3A_150 : memref<16x2048xf32, #tpu.memory_space<hbm>>)
    %dma_start3A_151 = arith.constant 144 : i32
    %dma_start3A_152 = tpu.memref_slice %arg5[%dma_start3A_151] : memref<256xi32, #tpu.memory_space<vmem>> -> memref<16xi32, #tpu.memory_space<vmem>>
    %dma_start3A_153 = arith.constant 0 : i32
    %dma_start3A_154 = arith.constant 0 : i32
    %dma_start3A_155 = tpu.memref_slice %arg2[%dma_start3A_153, %dma_start3A_154] : memref<100000x2048xf32, #tpu.memory_space<hbm>> -> memref<100000x2048xf32, #tpu.memory_space<hbm>>
    tpu.enqueue_indirect_dma source(%dma_start3A_155 : memref<100000x2048xf32, #tpu.memory_space<hbm>>) target(%arg6 : memref<16x2048xf32, #tpu.memory_space<vmem>>) offsets(%dma_start3A_152 : memref<16xi32, #tpu.memory_space<vmem>>) semaphore(%arg9 : memref<!tpu.dma_semaphore, #tpu.memory_space<semaphore_mem>>)
    %dma_wait3A_156 = arith.constant 112 : i32
    %dma_wait3A_157 = tpu.memref_slice %arg5[%dma_wait3A_156] : memref<256xi32, #tpu.memory_space<vmem>> -> memref<16xi32, #tpu.memory_space<vmem>>
    %dma_wait3A_158 = arith.constant 0 : i32
    %dma_wait3A_159 = arith.constant 0 : i32
    %dma_wait3A_160 = tpu.memref_slice %arg2[%dma_wait3A_158, %dma_wait3A_159] : memref<100000x2048xf32, #tpu.memory_space<hbm>> -> memref<100000x2048xf32, #tpu.memory_space<hbm>>
    tpu.wait_indirect_dma semaphore(%arg10 : memref<!tpu.dma_semaphore, #tpu.memory_space<semaphore_mem>>) src(%dma_wait3A_160 : memref<100000x2048xf32, #tpu.memory_space<hbm>>) dst(%arg7 : memref<16x2048xf32, #tpu.memory_space<vmem>>)
    %add3A_161 = arith.constant 112 : i32
    %add3A_162 = arith.addi %mul3A_2, %add3A_161 : i32
    %dma_start3A_163 = arith.constant 0 : i32
    %dma_start3A_164 = tpu.memref_slice %arg4[%add3A_162, %dma_start3A_163] : memref<8192x2048xf32, #tpu.memory_space<hbm>> -> memref<16x2048xf32, #tpu.memory_space<hbm>>
    %dma_start3A_165 = arith.constant 0 : i32
    %dma_start3A_166 = tpu.memref_slice %arg4[%add3A_162, %dma_start3A_165] : memref<8192x2048xf32, #tpu.memory_space<hbm>> -> memref<16x2048xf32, #tpu.memory_space<hbm>>
    tpu.enqueue_dma source(%arg7 : memref<16x2048xf32, #tpu.memory_space<vmem>>) target(%dma_start3A_166 : memref<16x2048xf32, #tpu.memory_space<hbm>>) target_semaphore(%arg13 : memref<!tpu.dma_semaphore, #tpu.memory_space<semaphore_mem>>)
    %dma_wait3A_167 = arith.constant 0 : i32
    %dma_wait3A_168 = tpu.memref_slice %arg4[%add3A_162, %dma_wait3A_167] : memref<8192x2048xf32, #tpu.memory_space<hbm>> -> memref<16x2048xf32, #tpu.memory_space<hbm>>
    %dma_wait3A_169 = arith.constant 0 : i32
    %dma_wait3A_170 = tpu.memref_slice %arg4[%add3A_162, %dma_wait3A_169] : memref<8192x2048xf32, #tpu.memory_space<hbm>> -> memref<16x2048xf32, #tpu.memory_space<hbm>>
    tpu.wait_dma2 semaphore(%arg13 : memref<!tpu.dma_semaphore, #tpu.memory_space<semaphore_mem>>) src(%arg7 : memref<16x2048xf32, #tpu.memory_space<vmem>>) dst(%dma_wait3A_170 : memref<16x2048xf32, #tpu.memory_space<hbm>>)
    %dma_start3A_171 = arith.constant 160 : i32
    %dma_start3A_172 = tpu.memref_slice %arg5[%dma_start3A_171] : memref<256xi32, #tpu.memory_space<vmem>> -> memref<16xi32, #tpu.memory_space<vmem>>
    %dma_start3A_173 = arith.constant 0 : i32
    %dma_start3A_174 = arith.constant 0 : i32
    %dma_start3A_175 = tpu.memref_slice %arg2[%dma_start3A_173, %dma_start3A_174] : memref<100000x2048xf32, #tpu.memory_space<hbm>> -> memref<100000x2048xf32, #tpu.memory_space<hbm>>
    tpu.enqueue_indirect_dma source(%dma_start3A_175 : memref<100000x2048xf32, #tpu.memory_space<hbm>>) target(%arg7 : memref<16x2048xf32, #tpu.memory_space<vmem>>) offsets(%dma_start3A_172 : memref<16xi32, #tpu.memory_space<vmem>>) semaphore(%arg10 : memref<!tpu.dma_semaphore, #tpu.memory_space<semaphore_mem>>)
    %dma_wait3A_176 = arith.constant 128 : i32
    %dma_wait3A_177 = tpu.memref_slice %arg5[%dma_wait3A_176] : memref<256xi32, #tpu.memory_space<vmem>> -> memref<16xi32, #tpu.memory_space<vmem>>
    %dma_wait3A_178 = arith.constant 0 : i32
    %dma_wait3A_179 = arith.constant 0 : i32
    %dma_wait3A_180 = tpu.memref_slice %arg2[%dma_wait3A_178, %dma_wait3A_179] : memref<100000x2048xf32, #tpu.memory_space<hbm>> -> memref<100000x2048xf32, #tpu.memory_space<hbm>>
    tpu.wait_indirect_dma semaphore(%arg11 : memref<!tpu.dma_semaphore, #tpu.memory_space<semaphore_mem>>) src(%dma_wait3A_180 : memref<100000x2048xf32, #tpu.memory_space<hbm>>) dst(%arg8 : memref<16x2048xf32, #tpu.memory_space<vmem>>)
    %add3A_181 = arith.constant 128 : i32
    %add3A_182 = arith.addi %mul3A_2, %add3A_181 : i32
    %dma_start3A_183 = arith.constant 0 : i32
    %dma_start3A_184 = tpu.memref_slice %arg4[%add3A_182, %dma_start3A_183] : memref<8192x2048xf32, #tpu.memory_space<hbm>> -> memref<16x2048xf32, #tpu.memory_space<hbm>>
    %dma_start3A_185 = arith.constant 0 : i32
    %dma_start3A_186 = tpu.memref_slice %arg4[%add3A_182, %dma_start3A_185] : memref<8192x2048xf32, #tpu.memory_space<hbm>> -> memref<16x2048xf32, #tpu.memory_space<hbm>>
    tpu.enqueue_dma source(%arg8 : memref<16x2048xf32, #tpu.memory_space<vmem>>) target(%dma_start3A_186 : memref<16x2048xf32, #tpu.memory_space<hbm>>) target_semaphore(%arg14 : memref<!tpu.dma_semaphore, #tpu.memory_space<semaphore_mem>>)
    %dma_wait3A_187 = arith.constant 0 : i32
    %dma_wait3A_188 = tpu.memref_slice %arg4[%add3A_182, %dma_wait3A_187] : memref<8192x2048xf32, #tpu.memory_space<hbm>> -> memref<16x2048xf32, #tpu.memory_space<hbm>>
    %dma_wait3A_189 = arith.constant 0 : i32
    %dma_wait3A_190 = tpu.memref_slice %arg4[%add3A_182, %dma_wait3A_189] : memref<8192x2048xf32, #tpu.memory_space<hbm>> -> memref<16x2048xf32, #tpu.memory_space<hbm>>
    tpu.wait_dma2 semaphore(%arg14 : memref<!tpu.dma_semaphore, #tpu.memory_space<semaphore_mem>>) src(%arg8 : memref<16x2048xf32, #tpu.memory_space<vmem>>) dst(%dma_wait3A_190 : memref<16x2048xf32, #tpu.memory_space<hbm>>)
    %dma_start3A_191 = arith.constant 176 : i32
    %dma_start3A_192 = tpu.memref_slice %arg5[%dma_start3A_191] : memref<256xi32, #tpu.memory_space<vmem>> -> memref<16xi32, #tpu.memory_space<vmem>>
    %dma_start3A_193 = arith.constant 0 : i32
    %dma_start3A_194 = arith.constant 0 : i32
    %dma_start3A_195 = tpu.memref_slice %arg2[%dma_start3A_193, %dma_start3A_194] : memref<100000x2048xf32, #tpu.memory_space<hbm>> -> memref<100000x2048xf32, #tpu.memory_space<hbm>>
    tpu.enqueue_indirect_dma source(%dma_start3A_195 : memref<100000x2048xf32, #tpu.memory_space<hbm>>) target(%arg8 : memref<16x2048xf32, #tpu.memory_space<vmem>>) offsets(%dma_start3A_192 : memref<16xi32, #tpu.memory_space<vmem>>) semaphore(%arg11 : memref<!tpu.dma_semaphore, #tpu.memory_space<semaphore_mem>>)
    %dma_wait3A_196 = arith.constant 144 : i32
    %dma_wait3A_197 = tpu.memref_slice %arg5[%dma_wait3A_196] : memref<256xi32, #tpu.memory_space<vmem>> -> memref<16xi32, #tpu.memory_space<vmem>>
    %dma_wait3A_198 = arith.constant 0 : i32
    %dma_wait3A_199 = arith.constant 0 : i32
    %dma_wait3A_200 = tpu.memref_slice %arg2[%dma_wait3A_198, %dma_wait3A_199] : memref<100000x2048xf32, #tpu.memory_space<hbm>> -> memref<100000x2048xf32, #tpu.memory_space<hbm>>
    tpu.wait_indirect_dma semaphore(%arg9 : memref<!tpu.dma_semaphore, #tpu.memory_space<semaphore_mem>>) src(%dma_wait3A_200 : memref<100000x2048xf32, #tpu.memory_space<hbm>>) dst(%arg6 : memref<16x2048xf32, #tpu.memory_space<vmem>>)
    %add3A_201 = arith.constant 144 : i32
    %add3A_202 = arith.addi %mul3A_2, %add3A_201 : i32
    %dma_start3A_203 = arith.constant 0 : i32
    %dma_start3A_204 = tpu.memref_slice %arg4[%add3A_202, %dma_start3A_203] : memref<8192x2048xf32, #tpu.memory_space<hbm>> -> memref<16x2048xf32, #tpu.memory_space<hbm>>
    %dma_start3A_205 = arith.constant 0 : i32
    %dma_start3A_206 = tpu.memref_slice %arg4[%add3A_202, %dma_start3A_205] : memref<8192x2048xf32, #tpu.memory_space<hbm>> -> memref<16x2048xf32, #tpu.memory_space<hbm>>
    tpu.enqueue_dma source(%arg6 : memref<16x2048xf32, #tpu.memory_space<vmem>>) target(%dma_start3A_206 : memref<16x2048xf32, #tpu.memory_space<hbm>>) target_semaphore(%arg12 : memref<!tpu.dma_semaphore, #tpu.memory_space<semaphore_mem>>)
    %dma_wait3A_207 = arith.constant 0 : i32
    %dma_wait3A_208 = tpu.memref_slice %arg4[%add3A_202, %dma_wait3A_207] : memref<8192x2048xf32, #tpu.memory_space<hbm>> -> memref<16x2048xf32, #tpu.memory_space<hbm>>
    %dma_wait3A_209 = arith.constant 0 : i32
    %dma_wait3A_210 = tpu.memref_slice %arg4[%add3A_202, %dma_wait3A_209] : memref<8192x2048xf32, #tpu.memory_space<hbm>> -> memref<16x2048xf32, #tpu.memory_space<hbm>>
    tpu.wait_dma2 semaphore(%arg12 : memref<!tpu.dma_semaphore, #tpu.memory_space<semaphore_mem>>) src(%arg6 : memref<16x2048xf32, #tpu.memory_space<vmem>>) dst(%dma_wait3A_210 : memref<16x2048xf32, #tpu.memory_space<hbm>>)
    %dma_start3A_211 = arith.constant 192 : i32
    %dma_start3A_212 = tpu.memref_slice %arg5[%dma_start3A_211] : memref<256xi32, #tpu.memory_space<vmem>> -> memref<16xi32, #tpu.memory_space<vmem>>
    %dma_start3A_213 = arith.constant 0 : i32
    %dma_start3A_214 = arith.constant 0 : i32
    %dma_start3A_215 = tpu.memref_slice %arg2[%dma_start3A_213, %dma_start3A_214] : memref<100000x2048xf32, #tpu.memory_space<hbm>> -> memref<100000x2048xf32, #tpu.memory_space<hbm>>
    tpu.enqueue_indirect_dma source(%dma_start3A_215 : memref<100000x2048xf32, #tpu.memory_space<hbm>>) target(%arg6 : memref<16x2048xf32, #tpu.memory_space<vmem>>) offsets(%dma_start3A_212 : memref<16xi32, #tpu.memory_space<vmem>>) semaphore(%arg9 : memref<!tpu.dma_semaphore, #tpu.memory_space<semaphore_mem>>)
    %dma_wait3A_216 = arith.constant 160 : i32
    %dma_wait3A_217 = tpu.memref_slice %arg5[%dma_wait3A_216] : memref<256xi32, #tpu.memory_space<vmem>> -> memref<16xi32, #tpu.memory_space<vmem>>
    %dma_wait3A_218 = arith.constant 0 : i32
    %dma_wait3A_219 = arith.constant 0 : i32
    %dma_wait3A_220 = tpu.memref_slice %arg2[%dma_wait3A_218, %dma_wait3A_219] : memref<100000x2048xf32, #tpu.memory_space<hbm>> -> memref<100000x2048xf32, #tpu.memory_space<hbm>>
    tpu.wait_indirect_dma semaphore(%arg10 : memref<!tpu.dma_semaphore, #tpu.memory_space<semaphore_mem>>) src(%dma_wait3A_220 : memref<100000x2048xf32, #tpu.memory_space<hbm>>) dst(%arg7 : memref<16x2048xf32, #tpu.memory_space<vmem>>)
    %add3A_221 = arith.constant 160 : i32
    %add3A_222 = arith.addi %mul3A_2, %add3A_221 : i32
    %dma_start3A_223 = arith.constant 0 : i32
    %dma_start3A_224 = tpu.memref_slice %arg4[%add3A_222, %dma_start3A_223] : memref<8192x2048xf32, #tpu.memory_space<hbm>> -> memref<16x2048xf32, #tpu.memory_space<hbm>>
    %dma_start3A_225 = arith.constant 0 : i32
    %dma_start3A_226 = tpu.memref_slice %arg4[%add3A_222, %dma_start3A_225] : memref<8192x2048xf32, #tpu.memory_space<hbm>> -> memref<16x2048xf32, #tpu.memory_space<hbm>>
    tpu.enqueue_dma source(%arg7 : memref<16x2048xf32, #tpu.memory_space<vmem>>) target(%dma_start3A_226 : memref<16x2048xf32, #tpu.memory_space<hbm>>) target_semaphore(%arg13 : memref<!tpu.dma_semaphore, #tpu.memory_space<semaphore_mem>>)
    %dma_wait3A_227 = arith.constant 0 : i32
    %dma_wait3A_228 = tpu.memref_slice %arg4[%add3A_222, %dma_wait3A_227] : memref<8192x2048xf32, #tpu.memory_space<hbm>> -> memref<16x2048xf32, #tpu.memory_space<hbm>>
    %dma_wait3A_229 = arith.constant 0 : i32
    %dma_wait3A_230 = tpu.memref_slice %arg4[%add3A_222, %dma_wait3A_229] : memref<8192x2048xf32, #tpu.memory_space<hbm>> -> memref<16x2048xf32, #tpu.memory_space<hbm>>
    tpu.wait_dma2 semaphore(%arg13 : memref<!tpu.dma_semaphore, #tpu.memory_space<semaphore_mem>>) src(%arg7 : memref<16x2048xf32, #tpu.memory_space<vmem>>) dst(%dma_wait3A_230 : memref<16x2048xf32, #tpu.memory_space<hbm>>)
    %dma_start3A_231 = arith.constant 208 : i32
    %dma_start3A_232 = tpu.memref_slice %arg5[%dma_start3A_231] : memref<256xi32, #tpu.memory_space<vmem>> -> memref<16xi32, #tpu.memory_space<vmem>>
    %dma_start3A_233 = arith.constant 0 : i32
    %dma_start3A_234 = arith.constant 0 : i32
    %dma_start3A_235 = tpu.memref_slice %arg2[%dma_start3A_233, %dma_start3A_234] : memref<100000x2048xf32, #tpu.memory_space<hbm>> -> memref<100000x2048xf32, #tpu.memory_space<hbm>>
    tpu.enqueue_indirect_dma source(%dma_start3A_235 : memref<100000x2048xf32, #tpu.memory_space<hbm>>) target(%arg7 : memref<16x2048xf32, #tpu.memory_space<vmem>>) offsets(%dma_start3A_232 : memref<16xi32, #tpu.memory_space<vmem>>) semaphore(%arg10 : memref<!tpu.dma_semaphore, #tpu.memory_space<semaphore_mem>>)
    %dma_wait3A_236 = arith.constant 176 : i32
    %dma_wait3A_237 = tpu.memref_slice %arg5[%dma_wait3A_236] : memref<256xi32, #tpu.memory_space<vmem>> -> memref<16xi32, #tpu.memory_space<vmem>>
    %dma_wait3A_238 = arith.constant 0 : i32
    %dma_wait3A_239 = arith.constant 0 : i32
    %dma_wait3A_240 = tpu.memref_slice %arg2[%dma_wait3A_238, %dma_wait3A_239] : memref<100000x2048xf32, #tpu.memory_space<hbm>> -> memref<100000x2048xf32, #tpu.memory_space<hbm>>
    tpu.wait_indirect_dma semaphore(%arg11 : memref<!tpu.dma_semaphore, #tpu.memory_space<semaphore_mem>>) src(%dma_wait3A_240 : memref<100000x2048xf32, #tpu.memory_space<hbm>>) dst(%arg8 : memref<16x2048xf32, #tpu.memory_space<vmem>>)
    %add3A_241 = arith.constant 176 : i32
    %add3A_242 = arith.addi %mul3A_2, %add3A_241 : i32
    %dma_start3A_243 = arith.constant 0 : i32
    %dma_start3A_244 = tpu.memref_slice %arg4[%add3A_242, %dma_start3A_243] : memref<8192x2048xf32, #tpu.memory_space<hbm>> -> memref<16x2048xf32, #tpu.memory_space<hbm>>
    %dma_start3A_245 = arith.constant 0 : i32
    %dma_start3A_246 = tpu.memref_slice %arg4[%add3A_242, %dma_start3A_245] : memref<8192x2048xf32, #tpu.memory_space<hbm>> -> memref<16x2048xf32, #tpu.memory_space<hbm>>
    tpu.enqueue_dma source(%arg8 : memref<16x2048xf32, #tpu.memory_space<vmem>>) target(%dma_start3A_246 : memref<16x2048xf32, #tpu.memory_space<hbm>>) target_semaphore(%arg14 : memref<!tpu.dma_semaphore, #tpu.memory_space<semaphore_mem>>)
    %dma_wait3A_247 = arith.constant 0 : i32
    %dma_wait3A_248 = tpu.memref_slice %arg4[%add3A_242, %dma_wait3A_247] : memref<8192x2048xf32, #tpu.memory_space<hbm>> -> memref<16x2048xf32, #tpu.memory_space<hbm>>
    %dma_wait3A_249 = arith.constant 0 : i32
    %dma_wait3A_250 = tpu.memref_slice %arg4[%add3A_242, %dma_wait3A_249] : memref<8192x2048xf32, #tpu.memory_space<hbm>> -> memref<16x2048xf32, #tpu.memory_space<hbm>>
    tpu.wait_dma2 semaphore(%arg14 : memref<!tpu.dma_semaphore, #tpu.memory_space<semaphore_mem>>) src(%arg8 : memref<16x2048xf32, #tpu.memory_space<vmem>>) dst(%dma_wait3A_250 : memref<16x2048xf32, #tpu.memory_space<hbm>>)
    %dma_start3A_251 = arith.constant 224 : i32
    %dma_start3A_252 = tpu.memref_slice %arg5[%dma_start3A_251] : memref<256xi32, #tpu.memory_space<vmem>> -> memref<16xi32, #tpu.memory_space<vmem>>
    %dma_start3A_253 = arith.constant 0 : i32
    %dma_start3A_254 = arith.constant 0 : i32
    %dma_start3A_255 = tpu.memref_slice %arg2[%dma_start3A_253, %dma_start3A_254] : memref<100000x2048xf32, #tpu.memory_space<hbm>> -> memref<100000x2048xf32, #tpu.memory_space<hbm>>
    tpu.enqueue_indirect_dma source(%dma_start3A_255 : memref<100000x2048xf32, #tpu.memory_space<hbm>>) target(%arg8 : memref<16x2048xf32, #tpu.memory_space<vmem>>) offsets(%dma_start3A_252 : memref<16xi32, #tpu.memory_space<vmem>>) semaphore(%arg11 : memref<!tpu.dma_semaphore, #tpu.memory_space<semaphore_mem>>)
    %dma_wait3A_256 = arith.constant 192 : i32
    %dma_wait3A_257 = tpu.memref_slice %arg5[%dma_wait3A_256] : memref<256xi32, #tpu.memory_space<vmem>> -> memref<16xi32, #tpu.memory_space<vmem>>
    %dma_wait3A_258 = arith.constant 0 : i32
    %dma_wait3A_259 = arith.constant 0 : i32
    %dma_wait3A_260 = tpu.memref_slice %arg2[%dma_wait3A_258, %dma_wait3A_259] : memref<100000x2048xf32, #tpu.memory_space<hbm>> -> memref<100000x2048xf32, #tpu.memory_space<hbm>>
    tpu.wait_indirect_dma semaphore(%arg9 : memref<!tpu.dma_semaphore, #tpu.memory_space<semaphore_mem>>) src(%dma_wait3A_260 : memref<100000x2048xf32, #tpu.memory_space<hbm>>) dst(%arg6 : memref<16x2048xf32, #tpu.memory_space<vmem>>)
    %add3A_261 = arith.constant 192 : i32
    %add3A_262 = arith.addi %mul3A_2, %add3A_261 : i32
    %dma_start3A_263 = arith.constant 0 : i32
    %dma_start3A_264 = tpu.memref_slice %arg4[%add3A_262, %dma_start3A_263] : memref<8192x2048xf32, #tpu.memory_space<hbm>> -> memref<16x2048xf32, #tpu.memory_space<hbm>>
    %dma_start3A_265 = arith.constant 0 : i32
    %dma_start3A_266 = tpu.memref_slice %arg4[%add3A_262, %dma_start3A_265] : memref<8192x2048xf32, #tpu.memory_space<hbm>> -> memref<16x2048xf32, #tpu.memory_space<hbm>>
    tpu.enqueue_dma source(%arg6 : memref<16x2048xf32, #tpu.memory_space<vmem>>) target(%dma_start3A_266 : memref<16x2048xf32, #tpu.memory_space<hbm>>) target_semaphore(%arg12 : memref<!tpu.dma_semaphore, #tpu.memory_space<semaphore_mem>>)
    %dma_wait3A_267 = arith.constant 0 : i32
    %dma_wait3A_268 = tpu.memref_slice %arg4[%add3A_262, %dma_wait3A_267] : memref<8192x2048xf32, #tpu.memory_space<hbm>> -> memref<16x2048xf32, #tpu.memory_space<hbm>>
    %dma_wait3A_269 = arith.constant 0 : i32
    %dma_wait3A_270 = tpu.memref_slice %arg4[%add3A_262, %dma_wait3A_269] : memref<8192x2048xf32, #tpu.memory_space<hbm>> -> memref<16x2048xf32, #tpu.memory_space<hbm>>
    tpu.wait_dma2 semaphore(%arg12 : memref<!tpu.dma_semaphore, #tpu.memory_space<semaphore_mem>>) src(%arg6 : memref<16x2048xf32, #tpu.memory_space<vmem>>) dst(%dma_wait3A_270 : memref<16x2048xf32, #tpu.memory_space<hbm>>)
    %dma_start3A_271 = arith.constant 240 : i32
    %dma_start3A_272 = tpu.memref_slice %arg5[%dma_start3A_271] : memref<256xi32, #tpu.memory_space<vmem>> -> memref<16xi32, #tpu.memory_space<vmem>>
    %dma_start3A_273 = arith.constant 0 : i32
    %dma_start3A_274 = arith.constant 0 : i32
    %dma_start3A_275 = tpu.memref_slice %arg2[%dma_start3A_273, %dma_start3A_274] : memref<100000x2048xf32, #tpu.memory_space<hbm>> -> memref<100000x2048xf32, #tpu.memory_space<hbm>>
    tpu.enqueue_indirect_dma source(%dma_start3A_275 : memref<100000x2048xf32, #tpu.memory_space<hbm>>) target(%arg6 : memref<16x2048xf32, #tpu.memory_space<vmem>>) offsets(%dma_start3A_272 : memref<16xi32, #tpu.memory_space<vmem>>) semaphore(%arg9 : memref<!tpu.dma_semaphore, #tpu.memory_space<semaphore_mem>>)
    %dma_wait3A_276 = arith.constant 208 : i32
    %dma_wait3A_277 = tpu.memref_slice %arg5[%dma_wait3A_276] : memref<256xi32, #tpu.memory_space<vmem>> -> memref<16xi32, #tpu.memory_space<vmem>>
    %dma_wait3A_278 = arith.constant 0 : i32
    %dma_wait3A_279 = arith.constant 0 : i32
    %dma_wait3A_280 = tpu.memref_slice %arg2[%dma_wait3A_278, %dma_wait3A_279] : memref<100000x2048xf32, #tpu.memory_space<hbm>> -> memref<100000x2048xf32, #tpu.memory_space<hbm>>
    tpu.wait_indirect_dma semaphore(%arg10 : memref<!tpu.dma_semaphore, #tpu.memory_space<semaphore_mem>>) src(%dma_wait3A_280 : memref<100000x2048xf32, #tpu.memory_space<hbm>>) dst(%arg7 : memref<16x2048xf32, #tpu.memory_space<vmem>>)
    %add3A_281 = arith.constant 208 : i32
    %add3A_282 = arith.addi %mul3A_2, %add3A_281 : i32
    %dma_start3A_283 = arith.constant 0 : i32
    %dma_start3A_284 = tpu.memref_slice %arg4[%add3A_282, %dma_start3A_283] : memref<8192x2048xf32, #tpu.memory_space<hbm>> -> memref<16x2048xf32, #tpu.memory_space<hbm>>
    %dma_start3A_285 = arith.constant 0 : i32
    %dma_start3A_286 = tpu.memref_slice %arg4[%add3A_282, %dma_start3A_285] : memref<8192x2048xf32, #tpu.memory_space<hbm>> -> memref<16x2048xf32, #tpu.memory_space<hbm>>
    tpu.enqueue_dma source(%arg7 : memref<16x2048xf32, #tpu.memory_space<vmem>>) target(%dma_start3A_286 : memref<16x2048xf32, #tpu.memory_space<hbm>>) target_semaphore(%arg13 : memref<!tpu.dma_semaphore, #tpu.memory_space<semaphore_mem>>)
    %dma_wait3A_287 = arith.constant 224 : i32
    %dma_wait3A_288 = tpu.memref_slice %arg5[%dma_wait3A_287] : memref<256xi32, #tpu.memory_space<vmem>> -> memref<16xi32, #tpu.memory_space<vmem>>
    %dma_wait3A_289 = arith.constant 0 : i32
    %dma_wait3A_290 = arith.constant 0 : i32
    %dma_wait3A_291 = tpu.memref_slice %arg2[%dma_wait3A_289, %dma_wait3A_290] : memref<100000x2048xf32, #tpu.memory_space<hbm>> -> memref<100000x2048xf32, #tpu.memory_space<hbm>>
    tpu.wait_indirect_dma semaphore(%arg11 : memref<!tpu.dma_semaphore, #tpu.memory_space<semaphore_mem>>) src(%dma_wait3A_291 : memref<100000x2048xf32, #tpu.memory_space<hbm>>) dst(%arg8 : memref<16x2048xf32, #tpu.memory_space<vmem>>)
    %add3A_292 = arith.constant 224 : i32
    %add3A_293 = arith.addi %mul3A_2, %add3A_292 : i32
    %dma_start3A_294 = arith.constant 0 : i32
    %dma_start3A_295 = tpu.memref_slice %arg4[%add3A_293, %dma_start3A_294] : memref<8192x2048xf32, #tpu.memory_space<hbm>> -> memref<16x2048xf32, #tpu.memory_space<hbm>>
    %dma_start3A_296 = arith.constant 0 : i32
    %dma_start3A_297 = tpu.memref_slice %arg4[%add3A_293, %dma_start3A_296] : memref<8192x2048xf32, #tpu.memory_space<hbm>> -> memref<16x2048xf32, #tpu.memory_space<hbm>>
    tpu.enqueue_dma source(%arg8 : memref<16x2048xf32, #tpu.memory_space<vmem>>) target(%dma_start3A_297 : memref<16x2048xf32, #tpu.memory_space<hbm>>) target_semaphore(%arg14 : memref<!tpu.dma_semaphore, #tpu.memory_space<semaphore_mem>>)
    %dma_wait3A_298 = arith.constant 240 : i32
    %dma_wait3A_299 = tpu.memref_slice %arg5[%dma_wait3A_298] : memref<256xi32, #tpu.memory_space<vmem>> -> memref<16xi32, #tpu.memory_space<vmem>>
    %dma_wait3A_300 = arith.constant 0 : i32
    %dma_wait3A_301 = arith.constant 0 : i32
    %dma_wait3A_302 = tpu.memref_slice %arg2[%dma_wait3A_300, %dma_wait3A_301] : memref<100000x2048xf32, #tpu.memory_space<hbm>> -> memref<100000x2048xf32, #tpu.memory_space<hbm>>
    tpu.wait_indirect_dma semaphore(%arg9 : memref<!tpu.dma_semaphore, #tpu.memory_space<semaphore_mem>>) src(%dma_wait3A_302 : memref<100000x2048xf32, #tpu.memory_space<hbm>>) dst(%arg6 : memref<16x2048xf32, #tpu.memory_space<vmem>>)
    %add3A_303 = arith.constant 240 : i32
    %add3A_304 = arith.addi %mul3A_2, %add3A_303 : i32
    %dma_start3A_305 = arith.constant 0 : i32
    %dma_start3A_306 = tpu.memref_slice %arg4[%add3A_304, %dma_start3A_305] : memref<8192x2048xf32, #tpu.memory_space<hbm>> -> memref<16x2048xf32, #tpu.memory_space<hbm>>
    %dma_start3A_307 = arith.constant 0 : i32
    %dma_start3A_308 = tpu.memref_slice %arg4[%add3A_304, %dma_start3A_307] : memref<8192x2048xf32, #tpu.memory_space<hbm>> -> memref<16x2048xf32, #tpu.memory_space<hbm>>
    tpu.enqueue_dma source(%arg6 : memref<16x2048xf32, #tpu.memory_space<vmem>>) target(%dma_start3A_308 : memref<16x2048xf32, #tpu.memory_space<hbm>>) target_semaphore(%arg12 : memref<!tpu.dma_semaphore, #tpu.memory_space<semaphore_mem>>)
    %dma_wait3A_309 = arith.constant 0 : i32
    %dma_wait3A_310 = tpu.memref_slice %arg4[%add3A_304, %dma_wait3A_309] : memref<8192x2048xf32, #tpu.memory_space<hbm>> -> memref<16x2048xf32, #tpu.memory_space<hbm>>
    %dma_wait3A_311 = arith.constant 0 : i32
    %dma_wait3A_312 = tpu.memref_slice %arg4[%add3A_304, %dma_wait3A_311] : memref<8192x2048xf32, #tpu.memory_space<hbm>> -> memref<16x2048xf32, #tpu.memory_space<hbm>>
    tpu.wait_dma2 semaphore(%arg12 : memref<!tpu.dma_semaphore, #tpu.memory_space<semaphore_mem>>) src(%arg6 : memref<16x2048xf32, #tpu.memory_space<vmem>>) dst(%dma_wait3A_312 : memref<16x2048xf32, #tpu.memory_space<hbm>>)
    %dma_wait3A_313 = arith.constant 0 : i32
    %dma_wait3A_314 = tpu.memref_slice %arg4[%add3A_282, %dma_wait3A_313] : memref<8192x2048xf32, #tpu.memory_space<hbm>> -> memref<16x2048xf32, #tpu.memory_space<hbm>>
    %dma_wait3A_315 = arith.constant 0 : i32
    %dma_wait3A_316 = tpu.memref_slice %arg4[%add3A_282, %dma_wait3A_315] : memref<8192x2048xf32, #tpu.memory_space<hbm>> -> memref<16x2048xf32, #tpu.memory_space<hbm>>
    tpu.wait_dma2 semaphore(%arg13 : memref<!tpu.dma_semaphore, #tpu.memory_space<semaphore_mem>>) src(%arg7 : memref<16x2048xf32, #tpu.memory_space<vmem>>) dst(%dma_wait3A_316 : memref<16x2048xf32, #tpu.memory_space<hbm>>)
    %dma_wait3A_317 = arith.constant 0 : i32
    %dma_wait3A_318 = tpu.memref_slice %arg4[%add3A_293, %dma_wait3A_317] : memref<8192x2048xf32, #tpu.memory_space<hbm>> -> memref<16x2048xf32, #tpu.memory_space<hbm>>
    %dma_wait3A_319 = arith.constant 0 : i32
    %dma_wait3A_320 = tpu.memref_slice %arg4[%add3A_293, %dma_wait3A_319] : memref<8192x2048xf32, #tpu.memory_space<hbm>> -> memref<16x2048xf32, #tpu.memory_space<hbm>>
    tpu.wait_dma2 semaphore(%arg14 : memref<!tpu.dma_semaphore, #tpu.memory_space<semaphore_mem>>) src(%arg8 : memref<16x2048xf32, #tpu.memory_space<vmem>>) dst(%dma_wait3A_320 : memref<16x2048xf32, #tpu.memory_space<hbm>>)
    return
  }
}

</mosaic_0001>

<sc_bundles>
// kernel: kernel.3.cloned.1.call-start
scs
__scs_entry_jumppad:
0x0: {  	(pc) =	sbr.rel $0x88, $3  }
0x1: {  	(tag) =	ssettag $0x0;
	lr =	simm.s32 $0x1  }
0x2: {  	[smem:$0x3F9F] =	sst lr;
	_ =	strace $0xD0000000  }
0x3: {  	_ = 	snop  }
0x4: {  	_ = 	snop  }
0x5: {  	_ = 	snop  }
0x6: {  	_ = 	snop  }
0x7: {  	_ = 	snop  }
__scs_overlays_trampoline_lowered:
0x8: {  	[smem:$0x3FAE] =	sst s0  }
0x9: {  	[smem:$0x3FAF] =	sst s1  }
0xa: {  	[smem:$0x3FB0] =	sst s2  }
0xb: {  	[smem:$0x3FB1] =	sst s3  }
0xc: {  	[smem:$0x3FB2] =	sst s4  }
0xd: {  	[smem:$0x3FB3] =	sst s5  }
0xe: {  	[smem:$0x3FB4] =	sst s6  }
0xf: {  	[smem:$0x3FB5] =	sst s7  }
0x10: {  	[smem:$0x3FB6] =	sst s8  }
0x11: {  	[smem:$0x3FB7] =	sst s9;
	s0 =	simm.s32 @!p0 $0x0  }
0x12: {  	s1 =	sld [smem:$0x3F9D];
	s0 =	simm.s32 @p0 $0x1  }
0x13: {  	[smem:$0x3FB8] =	sst s0;
	s0 =	simm.s32 @!p1 $0x0  }
0x14: {  	s2 =	sld [smem:$0x3F9C];
	s0 =	simm.s32 @p1 $0x1  }
0x15: {  	[smem:$0x3FB9] =	sst s0;
	s0 =	simm.s32 @!p2 $0x0  }
0x16: {  	s3 =	sld [smem:$0x3FDB];
	s0 =	simm.s32 @p2 $0x1  }
0x17: {  	s4 =	simm.s32 $0x1BF5;
	[smem:$0x3FBB] =	sst s0  }
0x18: {  	s0 =	sld [smem:$0x3F9E];
	_ =	swait.ge [sflag:s4], $0x0  }
0x19: {  	s7 =	sld [smem:$0x3F9F]  }
0x1a: {  	s8 =	sadd.s32 $0xFFFFE003, lr  }
0x1b: {  	s9 =	sadd.s32 $0xFFFFFEF7, lr;
	s5 =	simm.s32 $0xFFFFFFFF;
	p2 =	slt.u32 s8, $0xFFFFF086  }
0x1c: {  	p1 =	slt.u32 s9, $0xF7A;
	s5 =	simm.s32 @!p2 $0x0  }
0x1d: {  	s5 =	simm.s32 @p1 $0x1;
	p0 =	seq.s32 s7, s2  }
0x1e: {  	s7 =	smul.u32 @!p0 $0xF7A, s2;
	p2 =	seq.s32 @!p0 s5, $0x0  }
0x1f: {  	s9 =	smul.u32 $0xF7A, s1;
	s8 =	simm.s32 @!p0 $0x1BF5;
	p2 =	por !p2, p0  }
0x20: {  	[sflag:s8] =	ssyncset.s32 @!p0 $0xFFFFF086;
	s6 =	sadd.s32 @!p0 s3, s7;
	s7 =	simm.s32 @!p0 $0x108  }
0x21: {  	s3 =	sadd.s32 s3, s9;
	s6 =	sadd.s32 @!p0 $0x88, s6;
	s7 =	simm.s32 @p2 $0x1082  }
0x22: {  	[simem:s7], [sflag:s8] =	dma.local @!p0 [hbm:s6], $0xF7A  }
0x23: {  	s9 =	sor.u32 $0xD0000000, s2;
	s6 =	simm.s32 $0x108;
	_ =	swait.ge @!p0 [sflag:s8], $0x0  }
0x24: {  	s3 =	sadd.s32 $0x88, s3;
	s6 =	simm.s32 @!p1 $0x1082;
	[sflag:s4] =	ssyncset.s32 $0xFFFFF086  }
0x25: {  	[simem:s6], [sflag:s4] =	dma.local [hbm:s3], $0xF7A  }
0x26: {  	[smem:$0x3F9F] =	sst s1;
	(tag) =	ssettag s2;
	_ =	strace s9  }
0x27: {  	s1 =	sld [smem:$0x3FAF]  }
0x28: {  	s2 =	sld [smem:$0x3FB0]  }
0x29: {  	s4 =	sld [smem:$0x3FB2]  }
0x2a: {  	p0 =	seq.s32 s5, $0x0;
	s5 =	sld [smem:$0x3FB3]  }
0x2b: {  	s6 =	sld [smem:$0x3FB4]  }
0x2c: {  	s7 =	sld [smem:$0x3FB5]  }
0x2d: {  	s3 =	simm.s32 $0x108;
	s8 =	sld [smem:$0x3FB6]  }
0x2e: {  	s3 =	simm.s32 @!p0 $0x1082;
	s9 =	sld [smem:$0x3FB7]  }
0x2f: {  	lr =	sadd.s32 s0, s3;
	s0 =	sld [smem:$0x3FAE]  }
0x30: {  	s3 =	sld [smem:$0x3FB1]  }
0x31: {  	[smem:$0x3FBA] =	sst s10  }
0x32: {  	s10 =	sld [smem:$0x3FB8];
	_ =	sdelay $0x3  }
0x33: {  	p0 =	seq.s32 s10, $0x1;
	s10 =	sld [smem:$0x3FBA];
	_ =	sdelay $0x3  }
0x34: {  	[smem:$0x3FBA] =	sst s10  }
0x35: {  	s10 =	sld [smem:$0x3FB9];
	_ =	sdelay $0x3  }
0x36: {  	p1 =	seq.s32 s10, $0x1;
	s10 =	sld [smem:$0x3FBA];
	_ =	sdelay $0x3  }
0x37: {  	[smem:$0x3FBA] =	sst s10  }
0x38: {  	s10 =	sld [smem:$0x3FBB]  }
0x39: {  	_ = 	snop;
	(pc) =	sbr.ind lr, $3  }
0x3a: {  	_ = 	snop  }
0x3b: {  	_ = 	snop  }
0x3c: {  	p2 =	seq.s32 s10, $0x1;
	s10 =	sld [smem:$0x3FBA]  }
0x3d: {  	_ =	shalt  }
0x3e: {  	_ =	shalt  }
0x3f: {  	_ =	shalt  }
0x40: {  	_ =	shalt  }
0x41: {  	_ =	shalt  }
0x42: {  	_ =	shalt  }
0x43: {  	_ =	shalt  }
0x44: {  	_ =	shalt  }
0x45: {  	_ =	shalt  }
0x46: {  	_ =	shalt  }
0x47: {  	_ =	shalt  }
0x48: {  	_ =	shalt  }
0x49: {  	_ =	shalt  }
0x4a: {  	_ =	shalt  }
0x4b: {  	_ =	shalt  }
0x4c: {  	_ =	shalt  }
0x4d: {  	_ =	shalt  }
0x4e: {  	_ =	shalt  }
0x4f: {  	_ =	shalt  }
0x50: {  	_ =	shalt  }
0x51: {  	_ =	shalt  }
0x52: {  	_ =	shalt  }
0x53: {  	_ =	shalt  }
0x54: {  	_ =	shalt  }
0x55: {  	_ =	shalt  }
0x56: {  	_ =	shalt  }
0x57: {  	_ =	shalt  }
0x58: {  	_ =	shalt  }
0x59: {  	_ =	shalt  }
0x5a: {  	_ =	shalt  }
0x5b: {  	_ =	shalt  }
0x5c: {  	_ =	shalt  }
0x5d: {  	_ =	shalt  }
0x5e: {  	_ =	shalt  }
0x5f: {  	_ =	shalt  }
0x60: {  	_ =	shalt  }
0x61: {  	_ =	shalt  }
0x62: {  	_ =	shalt  }
0x63: {  	_ =	shalt  }
0x64: {  	_ =	shalt  }
0x65: {  	_ =	shalt  }
0x66: {  	_ =	shalt  }
0x67: {  	_ =	shalt  }
0x68: {  	_ =	shalt  }
0x69: {  	_ =	shalt  }
0x6a: {  	_ =	shalt  }
0x6b: {  	_ =	shalt  }
0x6c: {  	_ =	shalt  }
0x6d: {  	_ =	shalt  }
0x6e: {  	_ =	shalt  }
0x6f: {  	_ =	shalt  }
0x70: {  	_ =	shalt  }
0x71: {  	_ =	shalt  }
0x72: {  	_ =	shalt  }
0x73: {  	_ =	shalt  }
0x74: {  	_ =	shalt  }
0x75: {  	_ =	shalt  }
0x76: {  	_ =	shalt  }
0x77: {  	_ =	shalt  }
0x78: {  	_ =	shalt  }
0x79: {  	_ =	shalt  }
0x7a: {  	_ =	shalt  }
0x7b: {  	_ =	shalt  }
0x7c: {  	_ =	shalt  }
0x7d: {  	_ =	shalt  }
0x7e: {  	_ =	shalt  }
0x7f: {  	_ =	shalt  }
0x80: {  	_ =	shalt  }
0x81: {  	_ =	shalt  }
0x82: {  	_ =	shalt  }
0x83: {  	_ =	shalt  }
0x84: {  	_ =	shalt  }
0x85: {  	_ =	shalt  }
0x86: {  	_ =	shalt  }
0x87: {  	_ =	shalt  }
.Lfunc_end0:
.L_simem_size_0:
called_computation_lowered:
.L_overlay_start_0:
0x88: {  	s2 =	sld [smem:$0x3FD9]  }
0x89: {  	s3 =	sld [smem:$0x3FFE];
	_ =	sdelay $0x1  }
0x8a: {  	s1 =	srdreg.scid  }
0x8b: {  	s0 =	sand.u32 $0x1, s1  }
0x8c: {  	s18 =	sshll.u32 s0, $0xA;
	s2 =	sadd.s32 s3, s2  }
0x8d: {  	s2 =	sadd.s32 s2, s18  }
0x8e: {  	[smem:$0x3FC6] =	sst s2  }
0x8f: {  	_ = 	snop  }
0x90: {  	s2 =	sld [smem:$0x3FC9]  }
0x91: {  	s19 =	sld [smem:$0x3FC8]  }
0x92: {  	s4 =	sld [smem:$0x3FD0];
	(tm) =	ssettm $0x1  }
0x93: {  	s5 =	sld [smem:$0x3FFB];
	_ =	sdelay $0x3  }
0x94: {  	_ =	strace s5  }
0x95: {  	s5 =	sld [smem:$0x3FFC];
	_ =	sdelay $0x3  }
0x96: {  	_ =	strace s5  }
0x97: {  	s5 =	sld [smem:$0x3FFD];
	_ =	sdelay $0x3  }
0x98: {  	_ =	strace s5  }
0x99: {  	_ =	strace $0x8FFFFFFF  }
0x9a: {  	s20 =	sld [smem:$0x3FDB];
	_ =	sdelay $0x1  }
0x9b: {  	s6 =	simm.s32 $_scs_section_size  }
0x9c: {  	s7 =	simm.s32 $_size__tile_overlayer_lowered;
	s8 =	simm.s32 $_tile_overlayer_lowered  }
0x9d: {  	s23 =	simm.s32 $0x1BFF;
	s22 =	sshll.u32 s8, $0x1;
	s5 =	sadd.s32 s6, s20  }
0x9e: {  	s9 =	simm.s32 $0x0;
	s21 =	sshll.u32 s7, $0x1;
	s7 =	sadd.s32 s22, s5  }
0x9f: {  	[timem:s9], [sflag:s23] =	dma.local [hbm:s7], s21  }
0xa0: {  	_ =	swait.ge [sflag:s23], s21  }
0xa1: {  	s6 =	ssub.s32 $0x0, s21;
	[sflag:s23] =	ssyncset.done $0x0  }
0xa2: {  	[sflag:s23] =	ssyncadd.s32 s6;
	_ =	sdelay $0x1  }
0xa3: {  	s24 =	simm.s32 $0x1B8B  }
0xa4: {  	_ =	swait.ge [sflag:s24], $0x1  }
0xa5: {  	[sflag:s24] =	ssyncset.done $0x0  }
0xa6: {  	s25 =	simm.s32 $0x1B8E;
	[sflag:s24] =	ssyncadd.s32 $0xFFFFFFFF  }
0xa7: {  	s26 =	simm.s32 $execute0_lowered;
	[smem:$0x3FD2] =	sst s25  }
0xa8: {  	s6 =	sshll.u32 s26, $0x1;
	_ =	strace $0x80000046;
	[dreg:$0x1] =	wrdreg $0xFFFFFFFF  }
0xa9: {  	s28 =	simm.s32 $_size_execute0_lowered;
	s5 =	sadd.s32 s5, s6;
	[dreg:$0x0] =	wrdreg $0x0  }
0xaa: {  	s6 =	sshll.u32 s28, $0x1;
	[dreg:$0x2] =	wrdreg s5  }
0xab: {  	[dreg:$0x3] =	wrdreg s6  }
0xac: {  	[dreg:$0x4] =	wrdreg $0xC0  }
0xad: {  	_ =	task [dreg:s9], $0x5FFFF  }
0xae: {  	[dreg:$0x1] =	wrdreg $0xFFFFFFFF  }
0xaf: {  	[dreg:$0x0] =	wrdreg $0x60  }
0xb0: {  	[dreg:$0x2] =	wrdreg s19  }
0xb1: {  	[dreg:$0x3] =	wrdreg s2  }
0xb2: {  	[dreg:$0x4] =	wrdreg s4  }
0xb3: {  	[dreg:$0x5] =	wrdreg $0x9  }
0xb4: {  	_ =	task.clear_ibuf [dreg:s9], $0x6FFFF;
	_ =	strace $0x90000046  }
0xb5: {  	s29 =	simm.s32 $0x9;
	_ =	strace $0x80000048  }
0xb6: {  	_ =	swait.ge [sflag:s29], $0x1  }
0xb7: {  	[sflag:s29] =	ssyncadd.s32 $0xFFFFFFFF  }
0xb8: {  	_ =	strace $0x90000048  }
0xb9: {  	_ =	sfence  }
0xba: {  	s30 =	sld [smem:$0x0];
	_ =	sdelay $0x2  }
0xbb: {  	s31 =	sshll.u32 s1, $0xD;
	s1 =	sshrl.u32 s1, $0x2  }
0xbc: {  	s3 =	sand.u32 $0x4000, s31;
	s1 =	sadd.s32 s1, s30  }
0xbd: {  	s0 =	sor.u32 s3, s0;
	s1 =	sshll.u32 s1, $0x11  }
0xbe: {  	s0 =	sor.u32 s1, s0  }
0xbf: {  	s0 =	sadd.s32 $0x8F2B, s0  }
0xc0: {  	[sflag:s0] =	ssyncadd.remote.s32 $0x1  }
0xc1: {  	_ =	sfence.sel $0xFFFF  }
0xc2: {  	[dreg:$0x0] =	wrdreg $0xFFFFFFFF;
	(pc) =	sbr.abs _section_cstart, $3  }
0xc3: {  	[dreg:$0x1] =	wrdreg $0xFFFFFFFF  }
0xc4: {  	_ =	task.clear_ibuf [dreg:s9], $0x2FFFF;
	_ =	strace $0x9FFFFFFF  }
0xc5: {  	(tm) =	ssettm $0x7FFFFFFF  }
tec
execute0_lowered:
.L_overlay_start_1:
0x0: {  	(tag) =	ssettag $0x1  }
0x1: {  	s0 =	srdreg.scid  }
0x2: {  	s3 =	stileid.u32;
	s0 =	sand.u32 $0x1, s0  }
0x3: {  	s1 =	rddreg [dreg:$0x0];
	s5 =	sshll.u32 s3, $0x9;
	s6 =	sshll.u32 s0, $0x8  }
0x4: {  	s2 =	rddreg [dreg:$0x1];
	s5 =	sor.u32 s6, s5  }
0x5: {  	s4 =	rddreg [dreg:$0x2];
	s3 =	simm.s32 $0x0;
	s6 =	sshrl.u32 s5, $0x3  }
0x6: {  	[smem:$0x7FF] =	sst s3;
	s5 =	sshll.u32 s5, $0x8;
	s2 =	sadd.s32 s2, s6  }
0x7: {  	_ =	strace $0x80000047;
	s12 =	sadd.s32 s4, s5;
	[dreg:$0x4] =	wrdreg s2  }
0x8: {  	s15 =	sadd.s32 $0x1000, s12;
	[dreg:$0x14] =	wrdreg s12  }
0x9: {  	s16 =	sadd.s32 $0x2000, s12;
	[dreg:$0x5] =	wrdreg s15  }
0xa: {  	s7 =	sadd.s32 $0x300, s1;
	s17 =	sadd.s32 $0x3000, s12;
	[dreg:$0x6] =	wrdreg s16  }
0xb: {  	s8 =	sadd.s32 $0x400, s1;
	s18 =	sadd.s32 $0x4000, s12;
	[dreg:$0x7] =	wrdreg s17  }
0xc: {  	s9 =	sadd.s32 $0x500, s1;
	s19 =	sadd.s32 $0x5000, s12;
	[dreg:$0x8] =	wrdreg s18  }
0xd: {  	s10 =	sadd.s32 $0x600, s1;
	s20 =	sadd.s32 $0x6000, s12;
	[dreg:$0x9] =	wrdreg s19  }
0xe: {  	s11 =	sadd.s32 $0x700, s1;
	s22 =	sadd.s32 $0x7000, s12;
	[dreg:$0xa] =	wrdreg s20  }
0xf: {  	s0 =	ssub.s32 $0x2, s0;
	s23 =	sadd.s32 $0x8000, s12;
	[dreg:$0xb] =	wrdreg s22  }
0x10: {  	s21 =	sshrl.u32 s0, $0x1;
	s24 =	sadd.s32 $0x9000, s12;
	[dreg:$0xc] =	wrdreg s23  }
0x11: {  	s0 =	ssub.s32 s0, s21;
	s25 =	sadd.s32 $0xA000, s12;
	[dreg:$0xd] =	wrdreg s24  }
0x12: {  	s21 =	simm.s32 $0x100;
	s26 =	sadd.s32 $0xB000, s12;
	[dreg:$0xe] =	wrdreg s25  }
0x13: {  	s5 =	sadd.s32 $0x100, s1;
	s28 =	sadd.s32 $0xC000, s12;
	[dreg:$0xf] =	wrdreg s26  }
0x14: {  	s6 =	sadd.s32 $0x200, s1;
	s29 =	sadd.s32 $0xD000, s12;
	[dreg:$0x10] =	wrdreg s28  }
0x15: {  	s30 =	sadd.s32 $0xE000, s12;
	s31 =	sadd.s32 $0xF000, s12;
	[dreg:$0x11] =	wrdreg s29  }
0x16: {  	v2 =	vlaneseq.u32;
	s12 =	smax.u32 s0, $0x1;
	s2 =	simm.s32 $0x1;
	[dreg:$0x12] =	wrdreg s30  }
0x17: {  	vm0 =	vmmov $0xffff;
	v1 =	vshrl.u32 v2, $0x3;
	s0 =	simm.s32 $0x4;
	[dreg:$0x13] =	wrdreg s31;
	s22 =	simm.s32 $0x2  }
0x18: {  	v0 =	vand.u32 $0x7, v2;
	v2 =	vor.u32 $0x8, v2;
	v1 =	vmul.u32 $0x8, v1;
	s15 =	simm.s32 $0x5;
	s16 =	simm.s32 $0x3;
	s17 =	simm.s32 $0x6  }
.LBB2_1:
0x19: {  	[dreg:$0x15] =	wrdreg s12  }
0x1a: {  	s18 =	rddreg [dreg:$0x4];
	s31 =	simm.s32 $0x7  }
0x1b: {  	[tilespmem:s3], [sflag:$0x7] =	stream.linear.gather [hbm4b:s18+s3], $0x100, $0x38;
	[tilespmem:$0x18100] =	vst v63  }
0x1c: {  	_ =	swait.ge [sflag:s31], $0x100  }
0x1d: {  	[sflag:s31] =	ssyncset.done $0x0  }
0x1e: {  	[sflag:s31] =	ssyncadd.s32 $0xFFFFFF00  }
0x1f: {  	v3 =	vld [tilespmem:$0x0];
	_ =	sdelay $0x4  }
0x20: {  	v4 =	vshll.u32 v3, $0x4  }
0x21: {  	v3 =	vand.u32 $0x7, v3;
	v4 =	vand.u32 $0xFFFFFF80, v4  }
0x22: {  	v3 =	vor.u32 v3, v4  }
0x23: {  	v4 =	vperm.xlane v3, v0;
	_ =	sdelay $0x1  }
0x24: {  	v4 =	vadd.s32 v1, v4;
	_ =	sdelay $0x4  }
0x25: {  	[tilespmem:s21], [sflag:$0x1] =	stream.indirect_vreg.gather [hbm4b:s1+s3], $0x80, v4, vm0, $0xb8;
	[tilespmem:$0x18100] =	vst v63  }
0x26: {  	s4 =	simm.s32 $0x900  }
0x27: {  	[tilespmem:s4], [sflag:$0x1] =	stream.indirect_vreg.gather [hbm4b:s5+s3], $0x80, v4, vm0, $0xb8;
	[tilespmem:$0x18100] =	vst v63  }
0x28: {  	s12 =	simm.s32 $0x1100  }
0x29: {  	[tilespmem:s12], [sflag:$0x1] =	stream.indirect_vreg.gather [hbm4b:s6+s3], $0x80, v4, vm0, $0xb8;
	[tilespmem:$0x18100] =	vst v63  }
0x2a: {  	s13 =	simm.s32 $0x1900  }
0x2b: {  	[tilespmem:s13], [sflag:$0x1] =	stream.indirect_vreg.gather [hbm4b:s7+s3], $0x80, v4, vm0, $0xb8;
	[tilespmem:$0x18100] =	vst v63  }
0x2c: {  	s14 =	simm.s32 $0x2100  }
0x2d: {  	[tilespmem:s14], [sflag:$0x1] =	stream.indirect_vreg.gather [hbm4b:s8+s3], $0x80, v4, vm0, $0xb8;
	[tilespmem:$0x18100] =	vst v63  }
0x2e: {  	s19 =	simm.s32 $0x2900;
	v3 =	vperm.xlane v3, v2  }
0x2f: {  	[tilespmem:s19], [sflag:$0x1] =	stream.indirect_vreg.gather [hbm4b:s9+s3], $0x80, v4, vm0, $0xb8;
	[tilespmem:$0x18100] =	vst v63  }
0x30: {  	s20 =	simm.s32 $0x3100;
	v3 =	vadd.s32 v1, v3  }
0x31: {  	[tilespmem:s20], [sflag:$0x1] =	stream.indirect_vreg.gather [hbm4b:s10+s3], $0x80, v4, vm0, $0xb8;
	[tilespmem:$0x18100] =	vst v63  }
0x32: {  	s23 =	simm.s32 $0x3900  }
0x33: {  	[tilespmem:s23], [sflag:$0x1] =	stream.indirect_vreg.gather [hbm4b:s11+s3], $0x80, v4, vm0, $0xb8;
	[tilespmem:$0x18100] =	vst v63  }
0x34: {  	s24 =	simm.s32 $0x4100  }
0x35: {  	[tilespmem:s24], [sflag:$0x1] =	stream.indirect_vreg.gather [hbm4b:s1+s3], $0x80, v3, vm0, $0xb8;
	[tilespmem:$0x18100] =	vst v63  }
0x36: {  	s25 =	simm.s32 $0x4900  }
0x37: {  	[tilespmem:s25], [sflag:$0x1] =	stream.indirect_vreg.gather [hbm4b:s5+s3], $0x80, v3, vm0, $0xb8;
	[tilespmem:$0x18100] =	vst v63  }
0x38: {  	s26 =	simm.s32 $0x5100  }
0x39: {  	[tilespmem:s26], [sflag:$0x1] =	stream.indirect_vreg.gather [hbm4b:s6+s3], $0x80, v3, vm0, $0xb8;
	[tilespmem:$0x18100] =	vst v63  }
0x3a: {  	s28 =	simm.s32 $0x5900  }
0x3b: {  	[tilespmem:s28], [sflag:$0x1] =	stream.indirect_vreg.gather [hbm4b:s7+s3], $0x80, v3, vm0, $0xb8;
	[tilespmem:$0x18100] =	vst v63  }
0x3c: {  	s29 =	simm.s32 $0x6100  }
0x3d: {  	[tilespmem:s29], [sflag:$0x1] =	stream.indirect_vreg.gather [hbm4b:s8+s3], $0x80, v3, vm0, $0xb8;
	[tilespmem:$0x18100] =	vst v63  }
0x3e: {  	s12 =	simm.s32 $0x6900  }
0x3f: {  	[tilespmem:s12], [sflag:$0x1] =	stream.indirect_vreg.gather [hbm4b:s9+s3], $0x80, v3, vm0, $0xb8;
	[tilespmem:$0x18100] =	vst v63  }
0x40: {  	s13 =	simm.s32 $0x7100  }
0x41: {  	[tilespmem:s13], [sflag:$0x1] =	stream.indirect_vreg.gather [hbm4b:s10+s3], $0x80, v3, vm0, $0xb8;
	[tilespmem:$0x18100] =	vst v63  }
0x42: {  	s14 =	simm.s32 $0x7900  }
0x43: {  	[tilespmem:s14], [sflag:$0x1] =	stream.indirect_vreg.gather [hbm4b:s11+s3], $0x80, v3, vm0, $0xb8;
	[tilespmem:$0x18100] =	vst v63  }
0x44: {  	v3 =	vld [tilespmem:$0x10];
	_ =	sdelay $0x4  }
0x45: {  	v49 =	vshll.u32 v3, $0x4  }
0x46: {  	v3 =	vand.u32 $0x7, v3;
	v4 =	vand.u32 $0xFFFFFF80, v49  }
0x47: {  	v3 =	vor.u32 v3, v4  }
0x48: {  	v4 =	vperm.xlane v3, v0;
	_ =	sdelay $0x1  }
0x49: {  	v4 =	vadd.s32 v1, v4;
	_ =	sdelay $0x3  }
0x4a: {  	s14 =	simm.s32 $0x8100  }
0x4b: {  	[tilespmem:s14], [sflag:$0x2] =	stream.indirect_vreg.gather [hbm4b:s1+s3], $0x80, v4, vm0, $0xb8;
	[tilespmem:$0x18100] =	vst v63  }
0x4c: {  	s20 =	simm.s32 $0x8900  }
0x4d: {  	[tilespmem:s20], [sflag:$0x2] =	stream.indirect_vreg.gather [hbm4b:s5+s3], $0x80, v4, vm0, $0xb8;
	[tilespmem:$0x18100] =	vst v63  }
0x4e: {  	s13 =	simm.s32 $0x9100  }
0x4f: {  	[tilespmem:s13], [sflag:$0x2] =	stream.indirect_vreg.gather [hbm4b:s6+s3], $0x80, v4, vm0, $0xb8;
	[tilespmem:$0x18100] =	vst v63  }
0x50: {  	s18 =	simm.s32 $0x9900  }
0x51: {  	[tilespmem:s18], [sflag:$0x2] =	stream.indirect_vreg.gather [hbm4b:s7+s3], $0x80, v4, vm0, $0xb8;
	[tilespmem:$0x18100] =	vst v63  }
0x52: {  	s20 =	simm.s32 $0xA100  }
0x53: {  	[tilespmem:s20], [sflag:$0x2] =	stream.indirect_vreg.gather [hbm4b:s8+s3], $0x80, v4, vm0, $0xb8;
	[tilespmem:$0x18100] =	vst v63  }
0x54: {  	v3 =	vperm.xlane v3, v2;
	s13 =	simm.s32 $0xA900  }
0x55: {  	[tilespmem:s13], [sflag:$0x2] =	stream.indirect_vreg.gather [hbm4b:s9+s3], $0x80, v4, vm0, $0xb8;
	[tilespmem:$0x18100] =	vst v63  }
0x56: {  	v3 =	vadd.s32 v1, v3;
	s18 =	simm.s32 $0xB100  }
0x57: {  	[tilespmem:s18], [sflag:$0x2] =	stream.indirect_vreg.gather [hbm4b:s10+s3], $0x80, v4, vm0, $0xb8;
	[tilespmem:$0x18100] =	vst v63  }
0x58: {  	s13 =	simm.s32 $0xB900  }
0x59: {  	[tilespmem:s13], [sflag:$0x2] =	stream.indirect_vreg.gather [hbm4b:s11+s3], $0x80, v4, vm0, $0xb8;
	[tilespmem:$0x18100] =	vst v63  }
0x5a: {  	s18 =	simm.s32 $0xC100  }
0x5b: {  	[tilespmem:s18], [sflag:$0x2] =	stream.indirect_vreg.gather [hbm4b:s1+s3], $0x80, v3, vm0, $0xb8;
	[tilespmem:$0x18100] =	vst v63  }
0x5c: {  	s13 =	simm.s32 $0xC900  }
0x5d: {  	[tilespmem:s13], [sflag:$0x2] =	stream.indirect_vreg.gather [hbm4b:s5+s3], $0x80, v3, vm0, $0xb8;
	[tilespmem:$0x18100] =	vst v63  }
0x5e: {  	s18 =	simm.s32 $0xD100  }
0x5f: {  	[tilespmem:s18], [sflag:$0x2] =	stream.indirect_vreg.gather [hbm4b:s6+s3], $0x80, v3, vm0, $0xb8;
	[tilespmem:$0x18100] =	vst v63  }
0x60: {  	s13 =	simm.s32 $0xD900  }
0x61: {  	[tilespmem:s13], [sflag:$0x2] =	stream.indirect_vreg.gather [hbm4b:s7+s3], $0x80, v3, vm0, $0xb8;
	[tilespmem:$0x18100] =	vst v63  }
0x62: {  	s18 =	simm.s32 $0xE100  }
0x63: {  	[tilespmem:s18], [sflag:$0x2] =	stream.indirect_vreg.gather [hbm4b:s8+s3], $0x80, v3, vm0, $0xb8;
	[tilespmem:$0x18100] =	vst v63  }
0x64: {  	s13 =	simm.s32 $0xE900  }
0x65: {  	[tilespmem:s13], [sflag:$0x2] =	stream.indirect_vreg.gather [hbm4b:s9+s3], $0x80, v3, vm0, $0xb8;
	[tilespmem:$0x18100] =	vst v63  }
0x66: {  	s18 =	simm.s32 $0xF100  }
0x67: {  	[tilespmem:s18], [sflag:$0x2] =	stream.indirect_vreg.gather [hbm4b:s10+s3], $0x80, v3, vm0, $0xb8;
	[tilespmem:$0x18100] =	vst v63  }
0x68: {  	s13 =	simm.s32 $0xF900  }
0x69: {  	[tilespmem:s13], [sflag:$0x2] =	stream.indirect_vreg.gather [hbm4b:s11+s3], $0x80, v3, vm0, $0xb8;
	[tilespmem:$0x18100] =	vst v63  }
0x6a: {  	v3 =	vld [tilespmem:$0x20];
	_ =	sdelay $0x4  }
0x6b: {  	v50 =	vshll.u32 v3, $0x4  }
0x6c: {  	v3 =	vand.u32 $0x7, v3;
	v4 =	vand.u32 $0xFFFFFF80, v50  }
0x6d: {  	v3 =	vor.u32 v3, v4  }
0x6e: {  	v4 =	vperm.xlane v3, v0;
	_ =	sdelay $0x1  }
0x6f: {  	v4 =	vadd.s32 v1, v4;
	_ =	sdelay $0x3  }
0x70: {  	s13 =	simm.s32 $0x10100  }
0x71: {  	[tilespmem:s13], [sflag:$0x3] =	stream.indirect_vreg.gather [hbm4b:s1+s3], $0x80, v4, vm0, $0xb8;
	[tilespmem:$0x18100] =	vst v63  }
0x72: {  	s14 =	simm.s32 $0x10900  }
0x73: {  	[tilespmem:s14], [sflag:$0x3] =	stream.indirect_vreg.gather [hbm4b:s5+s3], $0x80, v4, vm0, $0xb8;
	[tilespmem:$0x18100] =	vst v63  }
0x74: {  	s13 =	simm.s32 $0x11100  }
0x75: {  	[tilespmem:s13], [sflag:$0x3] =	stream.indirect_vreg.gather [hbm4b:s6+s3], $0x80, v4, vm0, $0xb8;
	[tilespmem:$0x18100] =	vst v63  }
0x76: {  	s14 =	simm.s32 $0x11900  }
0x77: {  	[tilespmem:s14], [sflag:$0x3] =	stream.indirect_vreg.gather [hbm4b:s7+s3], $0x80, v4, vm0, $0xb8;
	[tilespmem:$0x18100] =	vst v63  }
0x78: {  	s13 =	simm.s32 $0x12100  }
0x79: {  	[tilespmem:s13], [sflag:$0x3] =	stream.indirect_vreg.gather [hbm4b:s8+s3], $0x80, v4, vm0, $0xb8;
	[tilespmem:$0x18100] =	vst v63  }
0x7a: {  	v3 =	vperm.xlane v3, v2;
	s14 =	simm.s32 $0x12900  }
0x7b: {  	[tilespmem:s14], [sflag:$0x3] =	stream.indirect_vreg.gather [hbm4b:s9+s3], $0x80, v4, vm0, $0xb8;
	[tilespmem:$0x18100] =	vst v63  }
0x7c: {  	v3 =	vadd.s32 v1, v3;
	s13 =	simm.s32 $0x13100  }
0x7d: {  	[tilespmem:s13], [sflag:$0x3] =	stream.indirect_vreg.gather [hbm4b:s10+s3], $0x80, v4, vm0, $0xb8;
	[tilespmem:$0x18100] =	vst v63  }
0x7e: {  	s14 =	simm.s32 $0x13900  }
0x7f: {  	[tilespmem:s14], [sflag:$0x3] =	stream.indirect_vreg.gather [hbm4b:s11+s3], $0x80, v4, vm0, $0xb8;
	[tilespmem:$0x18100] =	vst v63  }
0x80: {  	s13 =	simm.s32 $0x14100  }
0x81: {  	[tilespmem:s13], [sflag:$0x3] =	stream.indirect_vreg.gather [hbm4b:s1+s3], $0x80, v3, vm0, $0xb8;
	[tilespmem:$0x18100] =	vst v63  }
0x82: {  	s14 =	simm.s32 $0x14900  }
0x83: {  	[tilespmem:s14], [sflag:$0x3] =	stream.indirect_vreg.gather [hbm4b:s5+s3], $0x80, v3, vm0, $0xb8;
	[tilespmem:$0x18100] =	vst v63  }
0x84: {  	s13 =	simm.s32 $0x15100  }
0x85: {  	[tilespmem:s13], [sflag:$0x3] =	stream.indirect_vreg.gather [hbm4b:s6+s3], $0x80, v3, vm0, $0xb8;
	[tilespmem:$0x18100] =	vst v63  }
0x86: {  	s14 =	simm.s32 $0x15900  }
0x87: {  	[tilespmem:s14], [sflag:$0x3] =	stream.indirect_vreg.gather [hbm4b:s7+s3], $0x80, v3, vm0, $0xb8;
	[tilespmem:$0x18100] =	vst v63  }
0x88: {  	s13 =	simm.s32 $0x16100  }
0x89: {  	[tilespmem:s13], [sflag:$0x3] =	stream.indirect_vreg.gather [hbm4b:s8+s3], $0x80, v3, vm0, $0xb8;
	[tilespmem:$0x18100] =	vst v63  }
0x8a: {  	s14 =	simm.s32 $0x16900  }
0x8b: {  	[tilespmem:s14], [sflag:$0x3] =	stream.indirect_vreg.gather [hbm4b:s9+s3], $0x80, v3, vm0, $0xb8;
	[tilespmem:$0x18100] =	vst v63  }
0x8c: {  	s13 =	simm.s32 $0x17100  }
0x8d: {  	[tilespmem:s13], [sflag:$0x3] =	stream.indirect_vreg.gather [hbm4b:s10+s3], $0x80, v3, vm0, $0xb8;
	[tilespmem:$0x18100] =	vst v63  }
0x8e: {  	s14 =	simm.s32 $0x17900  }
0x8f: {  	[tilespmem:s14], [sflag:$0x3] =	stream.indirect_vreg.gather [hbm4b:s11+s3], $0x80, v3, vm0, $0xb8;
	[tilespmem:$0x18100] =	vst v63  }
0x90: {  	_ =	swait.ge [sflag:s2], $0x8000  }
0x91: {  	[sflag:s2] =	ssyncset.done $0x0  }
0x92: {  	s13 =	rddreg [dreg:$0x14];
	[sflag:s2] =	ssyncadd.s32 $0xFFFF8000  }
0x93: {  	[hbm4b:s13+s3] =	stream.linear.scatter [tilespmem:s21], [sflag:$0x4], $0x8000, $0x38;
	[tilespmem:$0x18100] =	vst v63  }
0x94: {  	_ =	swait.ge [sflag:s0], $0x8000  }
0x95: {  	[sflag:s0] =	ssyncset.done $0x0  }
0x96: {  	[sflag:s0] =	ssyncadd.s32 $0xFFFF8000  }
0x97: {  	v3 =	vld [tilespmem:$0x30];
	_ =	sdelay $0x4  }
0x98: {  	v51 =	vshll.u32 v3, $0x4  }
0x99: {  	v3 =	vand.u32 $0x7, v3;
	v4 =	vand.u32 $0xFFFFFF80, v51  }
0x9a: {  	v3 =	vor.u32 v3, v4  }
0x9b: {  	v4 =	vperm.xlane v3, v0;
	_ =	sdelay $0x1  }
0x9c: {  	v4 =	vadd.s32 v1, v4;
	_ =	sdelay $0x4  }
0x9d: {  	[tilespmem:s21], [sflag:$0x1] =	stream.indirect_vreg.gather [hbm4b:s1+s3], $0x80, v4, vm0, $0xb8;
	[tilespmem:$0x18100] =	vst v63  }
0x9e: {  	s30 =	simm.s32 $0x900  }
0x9f: {  	[tilespmem:s30], [sflag:$0x1] =	stream.indirect_vreg.gather [hbm4b:s5+s3], $0x80, v4, vm0, $0xb8;
	[tilespmem:$0x18100] =	vst v63  }
0xa0: {  	s14 =	simm.s32 $0x1100  }
0xa1: {  	[tilespmem:s14], [sflag:$0x1] =	stream.indirect_vreg.gather [hbm4b:s6+s3], $0x80, v4, vm0, $0xb8;
	[tilespmem:$0x18100] =	vst v63  }
0xa2: {  	s18 =	simm.s32 $0x1900  }
0xa3: {  	[tilespmem:s18], [sflag:$0x1] =	stream.indirect_vreg.gather [hbm4b:s7+s3], $0x80, v4, vm0, $0xb8;
	[tilespmem:$0x18100] =	vst v63  }
0xa4: {  	s31 =	simm.s32 $0x2100  }
0xa5: {  	[tilespmem:s31], [sflag:$0x1] =	stream.indirect_vreg.gather [hbm4b:s8+s3], $0x80, v4, vm0, $0xb8;
	[tilespmem:$0x18100] =	vst v63  }
0xa6: {  	s4 =	simm.s32 $0x2900;
	v3 =	vperm.xlane v3, v2  }
0xa7: {  	[tilespmem:s4], [sflag:$0x1] =	stream.indirect_vreg.gather [hbm4b:s9+s3], $0x80, v4, vm0, $0xb8;
	[tilespmem:$0x18100] =	vst v63  }
0xa8: {  	v3 =	vadd.s32 v1, v3;
	s30 =	simm.s32 $0x3100  }
0xa9: {  	[tilespmem:s30], [sflag:$0x1] =	stream.indirect_vreg.gather [hbm4b:s10+s3], $0x80, v4, vm0, $0xb8;
	[tilespmem:$0x18100] =	vst v63  }
0xaa: {  	s31 =	simm.s32 $0x3900  }
0xab: {  	[tilespmem:s31], [sflag:$0x1] =	stream.indirect_vreg.gather [hbm4b:s11+s3], $0x80, v4, vm0, $0xb8;
	[tilespmem:$0x18100] =	vst v63  }
0xac: {  	s19 =	simm.s32 $0x4100  }
0xad: {  	[tilespmem:s19], [sflag:$0x1] =	stream.indirect_vreg.gather [hbm4b:s1+s3], $0x80, v3, vm0, $0xb8;
	[tilespmem:$0x18100] =	vst v63  }
0xae: {  	s23 =	simm.s32 $0x4900  }
0xaf: {  	[tilespmem:s23], [sflag:$0x1] =	stream.indirect_vreg.gather [hbm4b:s5+s3], $0x80, v3, vm0, $0xb8;
	[tilespmem:$0x18100] =	vst v63  }
0xb0: {  	s24 =	simm.s32 $0x5100  }
0xb1: {  	[tilespmem:s24], [sflag:$0x1] =	stream.indirect_vreg.gather [hbm4b:s6+s3], $0x80, v3, vm0, $0xb8;
	[tilespmem:$0x18100] =	vst v63  }
0xb2: {  	s25 =	simm.s32 $0x5900  }
0xb3: {  	[tilespmem:s25], [sflag:$0x1] =	stream.indirect_vreg.gather [hbm4b:s7+s3], $0x80, v3, vm0, $0xb8;
	[tilespmem:$0x18100] =	vst v63  }
0xb4: {  	s26 =	simm.s32 $0x6100  }
0xb5: {  	[tilespmem:s26], [sflag:$0x1] =	stream.indirect_vreg.gather [hbm4b:s8+s3], $0x80, v3, vm0, $0xb8;
	[tilespmem:$0x18100] =	vst v63  }
0xb6: {  	s28 =	simm.s32 $0x6900  }
0xb7: {  	[tilespmem:s28], [sflag:$0x1] =	stream.indirect_vreg.gather [hbm4b:s9+s3], $0x80, v3, vm0, $0xb8;
	[tilespmem:$0x18100] =	vst v63  }
0xb8: {  	s29 =	simm.s32 $0x7100  }
0xb9: {  	[tilespmem:s29], [sflag:$0x1] =	stream.indirect_vreg.gather [hbm4b:s10+s3], $0x80, v3, vm0, $0xb8;
	[tilespmem:$0x18100] =	vst v63  }
0xba: {  	s12 =	simm.s32 $0x7900  }
0xbb: {  	[tilespmem:s12], [sflag:$0x1] =	stream.indirect_vreg.gather [hbm4b:s11+s3], $0x80, v3, vm0, $0xb8;
	[tilespmem:$0x18100] =	vst v63  }
0xbc: {  	_ =	swait.ge [sflag:s22], $0x8000  }
0xbd: {  	[sflag:s22] =	ssyncset.done $0x0  }
0xbe: {  	s13 =	simm.s32 $0x8100;
	s12 =	rddreg [dreg:$0x5];
	[sflag:s22] =	ssyncadd.s32 $0xFFFF8000  }
0xbf: {  	[hbm4b:s12+s3] =	stream.linear.scatter [tilespmem:s13], [sflag:$0x5], $0x8000, $0x38;
	[tilespmem:$0x18100] =	vst v63  }
0xc0: {  	_ =	swait.ge [sflag:s15], $0x8000  }
0xc1: {  	[sflag:s15] =	ssyncset.done $0x0  }
0xc2: {  	[sflag:s15] =	ssyncadd.s32 $0xFFFF8000  }
0xc3: {  	v3 =	vld [tilespmem:$0x40];
	_ =	sdelay $0x4  }
0xc4: {  	v52 =	vshll.u32 v3, $0x4  }
0xc5: {  	v3 =	vand.u32 $0x7, v3;
	v4 =	vand.u32 $0xFFFFFF80, v52  }
0xc6: {  	v3 =	vor.u32 v3, v4  }
0xc7: {  	v4 =	vperm.xlane v3, v0;
	_ =	sdelay $0x1  }
0xc8: {  	v4 =	vadd.s32 v1, v4;
	_ =	sdelay $0x4  }
0xc9: {  	[tilespmem:s13], [sflag:$0x2] =	stream.indirect_vreg.gather [hbm4b:s1+s3], $0x80, v4, vm0, $0xb8;
	[tilespmem:$0x18100] =	vst v63  }
0xca: {  	s19 =	simm.s32 $0x8900  }
0xcb: {  	[tilespmem:s19], [sflag:$0x2] =	stream.indirect_vreg.gather [hbm4b:s5+s3], $0x80, v4, vm0, $0xb8;
	[tilespmem:$0x18100] =	vst v63  }
0xcc: {  	s23 =	simm.s32 $0x9100  }
0xcd: {  	[tilespmem:s23], [sflag:$0x2] =	stream.indirect_vreg.gather [hbm4b:s6+s3], $0x80, v4, vm0, $0xb8;
	[tilespmem:$0x18100] =	vst v63  }
0xce: {  	s24 =	simm.s32 $0x9900  }
0xcf: {  	[tilespmem:s24], [sflag:$0x2] =	stream.indirect_vreg.gather [hbm4b:s7+s3], $0x80, v4, vm0, $0xb8;
	[tilespmem:$0x18100] =	vst v63  }
0xd0: {  	s20 =	simm.s32 $0xA100  }
0xd1: {  	[tilespmem:s20], [sflag:$0x2] =	stream.indirect_vreg.gather [hbm4b:s8+s3], $0x80, v4, vm0, $0xb8;
	[tilespmem:$0x18100] =	vst v63  }
0xd2: {  	v3 =	vperm.xlane v3, v2;
	s13 =	simm.s32 $0xA900  }
0xd3: {  	[tilespmem:s13], [sflag:$0x2] =	stream.indirect_vreg.gather [hbm4b:s9+s3], $0x80, v4, vm0, $0xb8;
	[tilespmem:$0x18100] =	vst v63  }
0xd4: {  	s25 =	simm.s32 $0xB100;
	v3 =	vadd.s32 v1, v3  }
0xd5: {  	[tilespmem:s25], [sflag:$0x2] =	stream.indirect_vreg.gather [hbm4b:s10+s3], $0x80, v4, vm0, $0xb8;
	[tilespmem:$0x18100] =	vst v63  }
0xd6: {  	s26 =	simm.s32 $0xB900  }
0xd7: {  	[tilespmem:s26], [sflag:$0x2] =	stream.indirect_vreg.gather [hbm4b:s11+s3], $0x80, v4, vm0, $0xb8;
	[tilespmem:$0x18100] =	vst v63  }
0xd8: {  	s28 =	simm.s32 $0xC100  }
0xd9: {  	[tilespmem:s28], [sflag:$0x2] =	stream.indirect_vreg.gather [hbm4b:s1+s3], $0x80, v3, vm0, $0xb8;
	[tilespmem:$0x18100] =	vst v63  }
0xda: {  	s29 =	simm.s32 $0xC900  }
0xdb: {  	[tilespmem:s29], [sflag:$0x2] =	stream.indirect_vreg.gather [hbm4b:s5+s3], $0x80, v3, vm0, $0xb8;
	[tilespmem:$0x18100] =	vst v63  }
0xdc: {  	s30 =	simm.s32 $0xD100  }
0xdd: {  	[tilespmem:s30], [sflag:$0x2] =	stream.indirect_vreg.gather [hbm4b:s6+s3], $0x80, v3, vm0, $0xb8;
	[tilespmem:$0x18100] =	vst v63  }
0xde: {  	s31 =	simm.s32 $0xD900  }
0xdf: {  	[tilespmem:s31], [sflag:$0x2] =	stream.indirect_vreg.gather [hbm4b:s7+s3], $0x80, v3, vm0, $0xb8;
	[tilespmem:$0x18100] =	vst v63  }
0xe0: {  	s14 =	simm.s32 $0xE100  }
0xe1: {  	[tilespmem:s14], [sflag:$0x2] =	stream.indirect_vreg.gather [hbm4b:s8+s3], $0x80, v3, vm0, $0xb8;
	[tilespmem:$0x18100] =	vst v63  }
0xe2: {  	s12 =	simm.s32 $0xE900  }
0xe3: {  	[tilespmem:s12], [sflag:$0x2] =	stream.indirect_vreg.gather [hbm4b:s9+s3], $0x80, v3, vm0, $0xb8;
	[tilespmem:$0x18100] =	vst v63  }
0xe4: {  	s20 =	simm.s32 $0xF100  }
0xe5: {  	[tilespmem:s20], [sflag:$0x2] =	stream.indirect_vreg.gather [hbm4b:s10+s3], $0x80, v3, vm0, $0xb8;
	[tilespmem:$0x18100] =	vst v63  }
0xe6: {  	s14 =	simm.s32 $0xF900  }
0xe7: {  	[tilespmem:s14], [sflag:$0x2] =	stream.indirect_vreg.gather [hbm4b:s11+s3], $0x80, v3, vm0, $0xb8;
	[tilespmem:$0x18100] =	vst v63  }
0xe8: {  	_ =	swait.ge [sflag:s16], $0x8000  }
0xe9: {  	[sflag:s16] =	ssyncset.done $0x0  }
0xea: {  	s4 =	simm.s32 $0x10100;
	s18 =	rddreg [dreg:$0x6];
	[sflag:s16] =	ssyncadd.s32 $0xFFFF8000  }
0xeb: {  	[hbm4b:s18+s3] =	stream.linear.scatter [tilespmem:s4], [sflag:$0x6], $0x8000, $0x38;
	[tilespmem:$0x18100] =	vst v63  }
0xec: {  	_ =	swait.ge [sflag:s17], $0x8000  }
0xed: {  	[sflag:s17] =	ssyncset.done $0x0  }
0xee: {  	[sflag:s17] =	ssyncadd.s32 $0xFFFF8000  }
0xef: {  	v3 =	vld [tilespmem:$0x50];
	_ =	sdelay $0x4  }
0xf0: {  	v53 =	vshll.u32 v3, $0x4  }
0xf1: {  	v3 =	vand.u32 $0x7, v3;
	v4 =	vand.u32 $0xFFFFFF80, v53  }
0xf2: {  	v3 =	vor.u32 v3, v4  }
0xf3: {  	v4 =	vperm.xlane v3, v0;
	_ =	sdelay $0x1  }
0xf4: {  	v4 =	vadd.s32 v1, v4;
	_ =	sdelay $0x4  }
0xf5: {  	[tilespmem:s4], [sflag:$0x3] =	stream.indirect_vreg.gather [hbm4b:s1+s3], $0x80, v4, vm0, $0xb8;
	[tilespmem:$0x18100] =	vst v63  }
0xf6: {  	s18 =	simm.s32 $0x10900  }
0xf7: {  	[tilespmem:s18], [sflag:$0x3] =	stream.indirect_vreg.gather [hbm4b:s5+s3], $0x80, v4, vm0, $0xb8;
	[tilespmem:$0x18100] =	vst v63  }
0xf8: {  	s18 =	simm.s32 $0x11100  }
0xf9: {  	[tilespmem:s18], [sflag:$0x3] =	stream.indirect_vreg.gather [hbm4b:s6+s3], $0x80, v4, vm0, $0xb8;
	[tilespmem:$0x18100] =	vst v63  }
0xfa: {  	s18 =	simm.s32 $0x11900  }
0xfb: {  	[tilespmem:s18], [sflag:$0x3] =	stream.indirect_vreg.gather [hbm4b:s7+s3], $0x80, v4, vm0, $0xb8;
	[tilespmem:$0x18100] =	vst v63  }
0xfc: {  	s18 =	simm.s32 $0x12100  }
0xfd: {  	[tilespmem:s18], [sflag:$0x3] =	stream.indirect_vreg.gather [hbm4b:s8+s3], $0x80, v4, vm0, $0xb8;
	[tilespmem:$0x18100] =	vst v63  }
0xfe: {  	v3 =	vperm.xlane v3, v2;
	s18 =	simm.s32 $0x12900  }
0xff: {  	[tilespmem:s18], [sflag:$0x3] =	stream.indirect_vreg.gather [hbm4b:s9+s3], $0x80, v4, vm0, $0xb8;
	[tilespmem:$0x18100] =	vst v63  }
0x100: {  	v3 =	vadd.s32 v1, v3;
	s18 =	simm.s32 $0x13100  }
0x101: {  	[tilespmem:s18], [sflag:$0x3] =	stream.indirect_vreg.gather [hbm4b:s10+s3], $0x80, v4, vm0, $0xb8;
	[tilespmem:$0x18100] =	vst v63  }
0x102: {  	s18 =	simm.s32 $0x13900  }
0x103: {  	[tilespmem:s18], [sflag:$0x3] =	stream.indirect_vreg.gather [hbm4b:s11+s3], $0x80, v4, vm0, $0xb8;
	[tilespmem:$0x18100] =	vst v63  }
0x104: {  	s18 =	simm.s32 $0x14100  }
0x105: {  	[tilespmem:s18], [sflag:$0x3] =	stream.indirect_vreg.gather [hbm4b:s1+s3], $0x80, v3, vm0, $0xb8;
	[tilespmem:$0x18100] =	vst v63  }
0x106: {  	s18 =	simm.s32 $0x14900  }
0x107: {  	[tilespmem:s18], [sflag:$0x3] =	stream.indirect_vreg.gather [hbm4b:s5+s3], $0x80, v3, vm0, $0xb8;
	[tilespmem:$0x18100] =	vst v63  }
0x108: {  	s18 =	simm.s32 $0x15100  }
0x109: {  	[tilespmem:s18], [sflag:$0x3] =	stream.indirect_vreg.gather [hbm4b:s6+s3], $0x80, v3, vm0, $0xb8;
	[tilespmem:$0x18100] =	vst v63  }
0x10a: {  	s18 =	simm.s32 $0x15900  }
0x10b: {  	[tilespmem:s18], [sflag:$0x3] =	stream.indirect_vreg.gather [hbm4b:s7+s3], $0x80, v3, vm0, $0xb8;
	[tilespmem:$0x18100] =	vst v63  }
0x10c: {  	s18 =	simm.s32 $0x16100  }
0x10d: {  	[tilespmem:s18], [sflag:$0x3] =	stream.indirect_vreg.gather [hbm4b:s8+s3], $0x80, v3, vm0, $0xb8;
	[tilespmem:$0x18100] =	vst v63  }
0x10e: {  	s18 =	simm.s32 $0x16900  }
0x10f: {  	[tilespmem:s18], [sflag:$0x3] =	stream.indirect_vreg.gather [hbm4b:s9+s3], $0x80, v3, vm0, $0xb8;
	[tilespmem:$0x18100] =	vst v63  }
0x110: {  	s18 =	simm.s32 $0x17100  }
0x111: {  	[tilespmem:s18], [sflag:$0x3] =	stream.indirect_vreg.gather [hbm4b:s10+s3], $0x80, v3, vm0, $0xb8;
	[tilespmem:$0x18100] =	vst v63  }
0x112: {  	s18 =	simm.s32 $0x17900  }
0x113: {  	[tilespmem:s18], [sflag:$0x3] =	stream.indirect_vreg.gather [hbm4b:s11+s3], $0x80, v3, vm0, $0xb8;
	[tilespmem:$0x18100] =	vst v63  }
0x114: {  	_ =	swait.ge [sflag:s2], $0x8000  }
0x115: {  	[sflag:s2] =	ssyncset.done $0x0  }
0x116: {  	s4 =	rddreg [dreg:$0x7];
	[sflag:s2] =	ssyncadd.s32 $0xFFFF8000  }
0x117: {  	[hbm4b:s4+s3] =	stream.linear.scatter [tilespmem:s21], [sflag:$0x4], $0x8000, $0x38;
	[tilespmem:$0x18100] =	vst v63  }
0x118: {  	_ =	swait.ge [sflag:s0], $0x8000  }
0x119: {  	[sflag:s0] =	ssyncset.done $0x0  }
0x11a: {  	[sflag:s0] =	ssyncadd.s32 $0xFFFF8000  }
0x11b: {  	v3 =	vld [tilespmem:$0x60];
	_ =	sdelay $0x4  }
0x11c: {  	v54 =	vshll.u32 v3, $0x4  }
0x11d: {  	v3 =	vand.u32 $0x7, v3;
	v4 =	vand.u32 $0xFFFFFF80, v54  }
0x11e: {  	v3 =	vor.u32 v3, v4  }
0x11f: {  	v4 =	vperm.xlane v3, v0;
	_ =	sdelay $0x1  }
0x120: {  	v4 =	vadd.s32 v1, v4;
	_ =	sdelay $0x4  }
0x121: {  	[tilespmem:s21], [sflag:$0x1] =	stream.indirect_vreg.gather [hbm4b:s1+s3], $0x80, v4, vm0, $0xb8;
	[tilespmem:$0x18100] =	vst v63  }
0x122: {  	s18 =	simm.s32 $0x900  }
0x123: {  	[tilespmem:s18], [sflag:$0x1] =	stream.indirect_vreg.gather [hbm4b:s5+s3], $0x80, v4, vm0, $0xb8;
	[tilespmem:$0x18100] =	vst v63  }
0x124: {  	s18 =	simm.s32 $0x1100  }
0x125: {  	[tilespmem:s18], [sflag:$0x1] =	stream.indirect_vreg.gather [hbm4b:s6+s3], $0x80, v4, vm0, $0xb8;
	[tilespmem:$0x18100] =	vst v63  }
0x126: {  	s18 =	simm.s32 $0x1900  }
0x127: {  	[tilespmem:s18], [sflag:$0x1] =	stream.indirect_vreg.gather [hbm4b:s7+s3], $0x80, v4, vm0, $0xb8;
	[tilespmem:$0x18100] =	vst v63  }
0x128: {  	s18 =	simm.s32 $0x2100  }
0x129: {  	[tilespmem:s18], [sflag:$0x1] =	stream.indirect_vreg.gather [hbm4b:s8+s3], $0x80, v4, vm0, $0xb8;
	[tilespmem:$0x18100] =	vst v63  }
0x12a: {  	v3 =	vperm.xlane v3, v2;
	s18 =	simm.s32 $0x2900  }
0x12b: {  	[tilespmem:s18], [sflag:$0x1] =	stream.indirect_vreg.gather [hbm4b:s9+s3], $0x80, v4, vm0, $0xb8;
	[tilespmem:$0x18100] =	vst v63  }
0x12c: {  	v3 =	vadd.s32 v1, v3;
	s18 =	simm.s32 $0x3100  }
0x12d: {  	[tilespmem:s18], [sflag:$0x1] =	stream.indirect_vreg.gather [hbm4b:s10+s3], $0x80, v4, vm0, $0xb8;
	[tilespmem:$0x18100] =	vst v63  }
0x12e: {  	s18 =	simm.s32 $0x3900  }
0x12f: {  	[tilespmem:s18], [sflag:$0x1] =	stream.indirect_vreg.gather [hbm4b:s11+s3], $0x80, v4, vm0, $0xb8;
	[tilespmem:$0x18100] =	vst v63  }
0x130: {  	s18 =	simm.s32 $0x4100  }
0x131: {  	[tilespmem:s18], [sflag:$0x1] =	stream.indirect_vreg.gather [hbm4b:s1+s3], $0x80, v3, vm0, $0xb8;
	[tilespmem:$0x18100] =	vst v63  }
0x132: {  	s18 =	simm.s32 $0x4900  }
0x133: {  	[tilespmem:s18], [sflag:$0x1] =	stream.indirect_vreg.gather [hbm4b:s5+s3], $0x80, v3, vm0, $0xb8;
	[tilespmem:$0x18100] =	vst v63  }
0x134: {  	s18 =	simm.s32 $0x5100  }
0x135: {  	[tilespmem:s18], [sflag:$0x1] =	stream.indirect_vreg.gather [hbm4b:s6+s3], $0x80, v3, vm0, $0xb8;
	[tilespmem:$0x18100] =	vst v63  }
0x136: {  	s18 =	simm.s32 $0x5900  }
0x137: {  	[tilespmem:s18], [sflag:$0x1] =	stream.indirect_vreg.gather [hbm4b:s7+s3], $0x80, v3, vm0, $0xb8;
	[tilespmem:$0x18100] =	vst v63  }
0x138: {  	s18 =	simm.s32 $0x6100  }
0x139: {  	[tilespmem:s18], [sflag:$0x1] =	stream.indirect_vreg.gather [hbm4b:s8+s3], $0x80, v3, vm0, $0xb8;
	[tilespmem:$0x18100] =	vst v63  }
0x13a: {  	s18 =	simm.s32 $0x6900  }
0x13b: {  	[tilespmem:s18], [sflag:$0x1] =	stream.indirect_vreg.gather [hbm4b:s9+s3], $0x80, v3, vm0, $0xb8;
	[tilespmem:$0x18100] =	vst v63  }
0x13c: {  	s18 =	simm.s32 $0x7100  }
0x13d: {  	[tilespmem:s18], [sflag:$0x1] =	stream.indirect_vreg.gather [hbm4b:s10+s3], $0x80, v3, vm0, $0xb8;
	[tilespmem:$0x18100] =	vst v63  }
0x13e: {  	s18 =	simm.s32 $0x7900  }
0x13f: {  	[tilespmem:s18], [sflag:$0x1] =	stream.indirect_vreg.gather [hbm4b:s11+s3], $0x80, v3, vm0, $0xb8;
	[tilespmem:$0x18100] =	vst v63  }
0x140: {  	_ =	swait.ge [sflag:s22], $0x8000  }
0x141: {  	[sflag:s22] =	ssyncset.done $0x0  }
0x142: {  	s4 =	simm.s32 $0x8100;
	s18 =	rddreg [dreg:$0x8];
	[sflag:s22] =	ssyncadd.s32 $0xFFFF8000  }
0x143: {  	[hbm4b:s18+s3] =	stream.linear.scatter [tilespmem:s4], [sflag:$0x5], $0x8000, $0x38;
	[tilespmem:$0x18100] =	vst v63  }
0x144: {  	_ =	swait.ge [sflag:s15], $0x8000  }
0x145: {  	[sflag:s15] =	ssyncset.done $0x0  }
0x146: {  	[sflag:s15] =	ssyncadd.s32 $0xFFFF8000  }
0x147: {  	v3 =	vld [tilespmem:$0x70];
	_ =	sdelay $0x4  }
0x148: {  	v55 =	vshll.u32 v3, $0x4  }
0x149: {  	v3 =	vand.u32 $0x7, v3;
	v4 =	vand.u32 $0xFFFFFF80, v55  }
0x14a: {  	v3 =	vor.u32 v3, v4  }
0x14b: {  	v4 =	vperm.xlane v3, v0;
	_ =	sdelay $0x1  }
0x14c: {  	v4 =	vadd.s32 v1, v4;
	_ =	sdelay $0x4  }
0x14d: {  	[tilespmem:s4], [sflag:$0x2] =	stream.indirect_vreg.gather [hbm4b:s1+s3], $0x80, v4, vm0, $0xb8;
	[tilespmem:$0x18100] =	vst v63  }
0x14e: {  	_ = 	snop  }
0x14f: {  	[tilespmem:s19], [sflag:$0x2] =	stream.indirect_vreg.gather [hbm4b:s5+s3], $0x80, v4, vm0, $0xb8;
	[tilespmem:$0x18100] =	vst v63  }
0x150: {  	_ = 	snop  }
0x151: {  	[tilespmem:s23], [sflag:$0x2] =	stream.indirect_vreg.gather [hbm4b:s6+s3], $0x80, v4, vm0, $0xb8;
	[tilespmem:$0x18100] =	vst v63  }
0x152: {  	_ = 	snop  }
0x153: {  	[tilespmem:s24], [sflag:$0x2] =	stream.indirect_vreg.gather [hbm4b:s7+s3], $0x80, v4, vm0, $0xb8;
	[tilespmem:$0x18100] =	vst v63  }
0x154: {  	s19 =	simm.s32 $0xA100  }
0x155: {  	[tilespmem:s19], [sflag:$0x2] =	stream.indirect_vreg.gather [hbm4b:s8+s3], $0x80, v4, vm0, $0xb8;
	[tilespmem:$0x18100] =	vst v63  }
0x156: {  	v3 =	vperm.xlane v3, v2  }
0x157: {  	[tilespmem:s13], [sflag:$0x2] =	stream.indirect_vreg.gather [hbm4b:s9+s3], $0x80, v4, vm0, $0xb8;
	[tilespmem:$0x18100] =	vst v63  }
0x158: {  	v3 =	vadd.s32 v1, v3  }
0x159: {  	[tilespmem:s25], [sflag:$0x2] =	stream.indirect_vreg.gather [hbm4b:s10+s3], $0x80, v4, vm0, $0xb8;
	[tilespmem:$0x18100] =	vst v63  }
0x15a: {  	_ = 	snop  }
0x15b: {  	[tilespmem:s26], [sflag:$0x2] =	stream.indirect_vreg.gather [hbm4b:s11+s3], $0x80, v4, vm0, $0xb8;
	[tilespmem:$0x18100] =	vst v63  }
0x15c: {  	_ = 	snop  }
0x15d: {  	[tilespmem:s28], [sflag:$0x2] =	stream.indirect_vreg.gather [hbm4b:s1+s3], $0x80, v3, vm0, $0xb8;
	[tilespmem:$0x18100] =	vst v63  }
0x15e: {  	_ = 	snop  }
0x15f: {  	[tilespmem:s29], [sflag:$0x2] =	stream.indirect_vreg.gather [hbm4b:s5+s3], $0x80, v3, vm0, $0xb8;
	[tilespmem:$0x18100] =	vst v63  }
0x160: {  	_ = 	snop  }
0x161: {  	[tilespmem:s30], [sflag:$0x2] =	stream.indirect_vreg.gather [hbm4b:s6+s3], $0x80, v3, vm0, $0xb8;
	[tilespmem:$0x18100] =	vst v63  }
0x162: {  	_ = 	snop  }
0x163: {  	[tilespmem:s31], [sflag:$0x2] =	stream.indirect_vreg.gather [hbm4b:s7+s3], $0x80, v3, vm0, $0xb8;
	[tilespmem:$0x18100] =	vst v63  }
0x164: {  	s28 =	simm.s32 $0xE100  }
0x165: {  	[tilespmem:s28], [sflag:$0x2] =	stream.indirect_vreg.gather [hbm4b:s8+s3], $0x80, v3, vm0, $0xb8;
	[tilespmem:$0x18100] =	vst v63  }
0x166: {  	_ = 	snop  }
0x167: {  	[tilespmem:s12], [sflag:$0x2] =	stream.indirect_vreg.gather [hbm4b:s9+s3], $0x80, v3, vm0, $0xb8;
	[tilespmem:$0x18100] =	vst v63  }
0x168: {  	_ = 	snop  }
0x169: {  	[tilespmem:s20], [sflag:$0x2] =	stream.indirect_vreg.gather [hbm4b:s10+s3], $0x80, v3, vm0, $0xb8;
	[tilespmem:$0x18100] =	vst v63  }
0x16a: {  	_ = 	snop  }
0x16b: {  	[tilespmem:s14], [sflag:$0x2] =	stream.indirect_vreg.gather [hbm4b:s11+s3], $0x80, v3, vm0, $0xb8;
	[tilespmem:$0x18100] =	vst v63  }
0x16c: {  	_ =	swait.ge [sflag:s16], $0x8000  }
0x16d: {  	[sflag:s16] =	ssyncset.done $0x0  }
0x16e: {  	s30 =	simm.s32 $0x10100;
	s29 =	rddreg [dreg:$0x9];
	[sflag:s16] =	ssyncadd.s32 $0xFFFF8000  }
0x16f: {  	[hbm4b:s29+s3] =	stream.linear.scatter [tilespmem:s30], [sflag:$0x6], $0x8000, $0x38;
	[tilespmem:$0x18100] =	vst v63  }
0x170: {  	_ =	swait.ge [sflag:s17], $0x8000  }
0x171: {  	[sflag:s17] =	ssyncset.done $0x0  }
0x172: {  	[sflag:s17] =	ssyncadd.s32 $0xFFFF8000  }
0x173: {  	v3 =	vld [tilespmem:$0x80];
	_ =	sdelay $0x4  }
0x174: {  	v56 =	vshll.u32 v3, $0x4  }
0x175: {  	v3 =	vand.u32 $0x7, v3;
	v4 =	vand.u32 $0xFFFFFF80, v56  }
0x176: {  	v3 =	vor.u32 v3, v4  }
0x177: {  	v4 =	vperm.xlane v3, v0;
	_ =	sdelay $0x1  }
0x178: {  	v4 =	vadd.s32 v1, v4;
	_ =	sdelay $0x4  }
0x179: {  	[tilespmem:s30], [sflag:$0x3] =	stream.indirect_vreg.gather [hbm4b:s1+s3], $0x80, v4, vm0, $0xb8;
	[tilespmem:$0x18100] =	vst v63  }
0x17a: {  	s14 =	simm.s32 $0x10900  }
0x17b: {  	[tilespmem:s14], [sflag:$0x3] =	stream.indirect_vreg.gather [hbm4b:s5+s3], $0x80, v4, vm0, $0xb8;
	[tilespmem:$0x18100] =	vst v63  }
0x17c: {  	s31 =	simm.s32 $0x11100  }
0x17d: {  	[tilespmem:s31], [sflag:$0x3] =	stream.indirect_vreg.gather [hbm4b:s6+s3], $0x80, v4, vm0, $0xb8;
	[tilespmem:$0x18100] =	vst v63  }
0x17e: {  	s18 =	simm.s32 $0x11900  }
0x17f: {  	[tilespmem:s18], [sflag:$0x3] =	stream.indirect_vreg.gather [hbm4b:s7+s3], $0x80, v4, vm0, $0xb8;
	[tilespmem:$0x18100] =	vst v63  }
0x180: {  	s20 =	simm.s32 $0x12100  }
0x181: {  	[tilespmem:s20], [sflag:$0x3] =	stream.indirect_vreg.gather [hbm4b:s8+s3], $0x80, v4, vm0, $0xb8;
	[tilespmem:$0x18100] =	vst v63  }
0x182: {  	s23 =	simm.s32 $0x12900;
	v3 =	vperm.xlane v3, v2  }
0x183: {  	[tilespmem:s23], [sflag:$0x3] =	stream.indirect_vreg.gather [hbm4b:s9+s3], $0x80, v4, vm0, $0xb8;
	[tilespmem:$0x18100] =	vst v63  }
0x184: {  	s24 =	simm.s32 $0x13100;
	v3 =	vadd.s32 v1, v3  }
0x185: {  	[tilespmem:s24], [sflag:$0x3] =	stream.indirect_vreg.gather [hbm4b:s10+s3], $0x80, v4, vm0, $0xb8;
	[tilespmem:$0x18100] =	vst v63  }
0x186: {  	s25 =	simm.s32 $0x13900  }
0x187: {  	[tilespmem:s25], [sflag:$0x3] =	stream.indirect_vreg.gather [hbm4b:s11+s3], $0x80, v4, vm0, $0xb8;
	[tilespmem:$0x18100] =	vst v63  }
0x188: {  	s26 =	simm.s32 $0x14100  }
0x189: {  	[tilespmem:s26], [sflag:$0x3] =	stream.indirect_vreg.gather [hbm4b:s1+s3], $0x80, v3, vm0, $0xb8;
	[tilespmem:$0x18100] =	vst v63  }
0x18a: {  	s28 =	simm.s32 $0x14900  }
0x18b: {  	[tilespmem:s28], [sflag:$0x3] =	stream.indirect_vreg.gather [hbm4b:s5+s3], $0x80, v3, vm0, $0xb8;
	[tilespmem:$0x18100] =	vst v63  }
0x18c: {  	s29 =	simm.s32 $0x15100  }
0x18d: {  	[tilespmem:s29], [sflag:$0x3] =	stream.indirect_vreg.gather [hbm4b:s6+s3], $0x80, v3, vm0, $0xb8;
	[tilespmem:$0x18100] =	vst v63  }
0x18e: {  	s30 =	simm.s32 $0x15900  }
0x18f: {  	[tilespmem:s30], [sflag:$0x3] =	stream.indirect_vreg.gather [hbm4b:s7+s3], $0x80, v3, vm0, $0xb8;
	[tilespmem:$0x18100] =	vst v63  }
0x190: {  	s31 =	simm.s32 $0x16100  }
0x191: {  	[tilespmem:s31], [sflag:$0x3] =	stream.indirect_vreg.gather [hbm4b:s8+s3], $0x80, v3, vm0, $0xb8;
	[tilespmem:$0x18100] =	vst v63  }
0x192: {  	s18 =	simm.s32 $0x16900  }
0x193: {  	[tilespmem:s18], [sflag:$0x3] =	stream.indirect_vreg.gather [hbm4b:s9+s3], $0x80, v3, vm0, $0xb8;
	[tilespmem:$0x18100] =	vst v63  }
0x194: {  	s20 =	simm.s32 $0x17100  }
0x195: {  	[tilespmem:s20], [sflag:$0x3] =	stream.indirect_vreg.gather [hbm4b:s10+s3], $0x80, v3, vm0, $0xb8;
	[tilespmem:$0x18100] =	vst v63  }
0x196: {  	s23 =	simm.s32 $0x17900  }
0x197: {  	[tilespmem:s23], [sflag:$0x3] =	stream.indirect_vreg.gather [hbm4b:s11+s3], $0x80, v3, vm0, $0xb8;
	[tilespmem:$0x18100] =	vst v63  }
0x198: {  	_ =	swait.ge [sflag:s2], $0x8000  }
0x199: {  	[sflag:s2] =	ssyncset.done $0x0  }
0x19a: {  	s24 =	rddreg [dreg:$0xa];
	[sflag:s2] =	ssyncadd.s32 $0xFFFF8000  }
0x19b: {  	[hbm4b:s24+s3] =	stream.linear.scatter [tilespmem:s21], [sflag:$0x4], $0x8000, $0x38;
	[tilespmem:$0x18100] =	vst v63  }
0x19c: {  	_ =	swait.ge [sflag:s0], $0x8000  }
0x19d: {  	[sflag:s0] =	ssyncset.done $0x0  }
0x19e: {  	[sflag:s0] =	ssyncadd.s32 $0xFFFF8000  }
0x19f: {  	v3 =	vld [tilespmem:$0x90];
	_ =	sdelay $0x4  }
0x1a0: {  	v57 =	vshll.u32 v3, $0x4  }
0x1a1: {  	v3 =	vand.u32 $0x7, v3;
	v4 =	vand.u32 $0xFFFFFF80, v57  }
0x1a2: {  	v3 =	vor.u32 v3, v4  }
0x1a3: {  	v4 =	vperm.xlane v3, v0;
	_ =	sdelay $0x1  }
0x1a4: {  	v4 =	vadd.s32 v1, v4;
	_ =	sdelay $0x4  }
0x1a5: {  	[tilespmem:s21], [sflag:$0x1] =	stream.indirect_vreg.gather [hbm4b:s1+s3], $0x80, v4, vm0, $0xb8;
	[tilespmem:$0x18100] =	vst v63  }
0x1a6: {  	s20 =	simm.s32 $0x900  }
0x1a7: {  	[tilespmem:s20], [sflag:$0x1] =	stream.indirect_vreg.gather [hbm4b:s5+s3], $0x80, v4, vm0, $0xb8;
	[tilespmem:$0x18100] =	vst v63  }
0x1a8: {  	s25 =	simm.s32 $0x1100  }
0x1a9: {  	[tilespmem:s25], [sflag:$0x1] =	stream.indirect_vreg.gather [hbm4b:s6+s3], $0x80, v4, vm0, $0xb8;
	[tilespmem:$0x18100] =	vst v63  }
0x1aa: {  	s13 =	simm.s32 $0x1900  }
0x1ab: {  	[tilespmem:s13], [sflag:$0x1] =	stream.indirect_vreg.gather [hbm4b:s7+s3], $0x80, v4, vm0, $0xb8;
	[tilespmem:$0x18100] =	vst v63  }
0x1ac: {  	s30 =	simm.s32 $0x2100  }
0x1ad: {  	[tilespmem:s30], [sflag:$0x1] =	stream.indirect_vreg.gather [hbm4b:s8+s3], $0x80, v4, vm0, $0xb8;
	[tilespmem:$0x18100] =	vst v63  }
0x1ae: {  	s31 =	simm.s32 $0x2900;
	v3 =	vperm.xlane v3, v2  }
0x1af: {  	[tilespmem:s31], [sflag:$0x1] =	stream.indirect_vreg.gather [hbm4b:s9+s3], $0x80, v4, vm0, $0xb8;
	[tilespmem:$0x18100] =	vst v63  }
0x1b0: {  	s26 =	simm.s32 $0x3100;
	v3 =	vadd.s32 v1, v3  }
0x1b1: {  	[tilespmem:s26], [sflag:$0x1] =	stream.indirect_vreg.gather [hbm4b:s10+s3], $0x80, v4, vm0, $0xb8;
	[tilespmem:$0x18100] =	vst v63  }
0x1b2: {  	s28 =	simm.s32 $0x3900  }
0x1b3: {  	[tilespmem:s28], [sflag:$0x1] =	stream.indirect_vreg.gather [hbm4b:s11+s3], $0x80, v4, vm0, $0xb8;
	[tilespmem:$0x18100] =	vst v63  }
0x1b4: {  	s29 =	simm.s32 $0x4100  }
0x1b5: {  	[tilespmem:s29], [sflag:$0x1] =	stream.indirect_vreg.gather [hbm4b:s1+s3], $0x80, v3, vm0, $0xb8;
	[tilespmem:$0x18100] =	vst v63  }
0x1b6: {  	s23 =	simm.s32 $0x4900  }
0x1b7: {  	[tilespmem:s23], [sflag:$0x1] =	stream.indirect_vreg.gather [hbm4b:s5+s3], $0x80, v3, vm0, $0xb8;
	[tilespmem:$0x18100] =	vst v63  }
0x1b8: {  	s24 =	simm.s32 $0x5100  }
0x1b9: {  	[tilespmem:s24], [sflag:$0x1] =	stream.indirect_vreg.gather [hbm4b:s6+s3], $0x80, v3, vm0, $0xb8;
	[tilespmem:$0x18100] =	vst v63  }
0x1ba: {  	s25 =	simm.s32 $0x5900  }
0x1bb: {  	[tilespmem:s25], [sflag:$0x1] =	stream.indirect_vreg.gather [hbm4b:s7+s3], $0x80, v3, vm0, $0xb8;
	[tilespmem:$0x18100] =	vst v63  }
0x1bc: {  	s26 =	simm.s32 $0x6100  }
0x1bd: {  	[tilespmem:s26], [sflag:$0x1] =	stream.indirect_vreg.gather [hbm4b:s8+s3], $0x80, v3, vm0, $0xb8;
	[tilespmem:$0x18100] =	vst v63  }
0x1be: {  	s28 =	simm.s32 $0x6900  }
0x1bf: {  	[tilespmem:s28], [sflag:$0x1] =	stream.indirect_vreg.gather [hbm4b:s9+s3], $0x80, v3, vm0, $0xb8;
	[tilespmem:$0x18100] =	vst v63  }
0x1c0: {  	s29 =	simm.s32 $0x7100  }
0x1c1: {  	[tilespmem:s29], [sflag:$0x1] =	stream.indirect_vreg.gather [hbm4b:s10+s3], $0x80, v3, vm0, $0xb8;
	[tilespmem:$0x18100] =	vst v63  }
0x1c2: {  	s18 =	simm.s32 $0x7900  }
0x1c3: {  	[tilespmem:s18], [sflag:$0x1] =	stream.indirect_vreg.gather [hbm4b:s11+s3], $0x80, v3, vm0, $0xb8;
	[tilespmem:$0x18100] =	vst v63  }
0x1c4: {  	_ =	swait.ge [sflag:s22], $0x8000  }
0x1c5: {  	[sflag:s22] =	ssyncset.done $0x0  }
0x1c6: {  	s4 =	simm.s32 $0x8100;
	s18 =	rddreg [dreg:$0xb];
	[sflag:s22] =	ssyncadd.s32 $0xFFFF8000  }
0x1c7: {  	[hbm4b:s18+s3] =	stream.linear.scatter [tilespmem:s4], [sflag:$0x5], $0x8000, $0x38;
	[tilespmem:$0x18100] =	vst v63  }
0x1c8: {  	_ =	swait.ge [sflag:s15], $0x8000  }
0x1c9: {  	[sflag:s15] =	ssyncset.done $0x0  }
0x1ca: {  	[sflag:s15] =	ssyncadd.s32 $0xFFFF8000  }
0x1cb: {  	v3 =	vld [tilespmem:$0xA0];
	_ =	sdelay $0x4  }
0x1cc: {  	v58 =	vshll.u32 v3, $0x4  }
0x1cd: {  	v3 =	vand.u32 $0x7, v3;
	v4 =	vand.u32 $0xFFFFFF80, v58  }
0x1ce: {  	v3 =	vor.u32 v3, v4  }
0x1cf: {  	v4 =	vperm.xlane v3, v0;
	_ =	sdelay $0x1  }
0x1d0: {  	v4 =	vadd.s32 v1, v4;
	_ =	sdelay $0x4  }
0x1d1: {  	[tilespmem:s4], [sflag:$0x2] =	stream.indirect_vreg.gather [hbm4b:s1+s3], $0x80, v4, vm0, $0xb8;
	[tilespmem:$0x18100] =	vst v63  }
0x1d2: {  	s18 =	simm.s32 $0x8900  }
0x1d3: {  	[tilespmem:s18], [sflag:$0x2] =	stream.indirect_vreg.gather [hbm4b:s5+s3], $0x80, v4, vm0, $0xb8;
	[tilespmem:$0x18100] =	vst v63  }
0x1d4: {  	s18 =	simm.s32 $0x9100  }
0x1d5: {  	[tilespmem:s18], [sflag:$0x2] =	stream.indirect_vreg.gather [hbm4b:s6+s3], $0x80, v4, vm0, $0xb8;
	[tilespmem:$0x18100] =	vst v63  }
0x1d6: {  	s18 =	simm.s32 $0x9900  }
0x1d7: {  	[tilespmem:s18], [sflag:$0x2] =	stream.indirect_vreg.gather [hbm4b:s7+s3], $0x80, v4, vm0, $0xb8;
	[tilespmem:$0x18100] =	vst v63  }
0x1d8: {  	_ = 	snop  }
0x1d9: {  	[tilespmem:s19], [sflag:$0x2] =	stream.indirect_vreg.gather [hbm4b:s8+s3], $0x80, v4, vm0, $0xb8;
	[tilespmem:$0x18100] =	vst v63  }
0x1da: {  	v3 =	vperm.xlane v3, v2;
	s19 =	simm.s32 $0xA900  }
0x1db: {  	[tilespmem:s19], [sflag:$0x2] =	stream.indirect_vreg.gather [hbm4b:s9+s3], $0x80, v4, vm0, $0xb8;
	[tilespmem:$0x18100] =	vst v63  }
0x1dc: {  	v3 =	vadd.s32 v1, v3;
	s18 =	simm.s32 $0xB100  }
0x1dd: {  	[tilespmem:s18], [sflag:$0x2] =	stream.indirect_vreg.gather [hbm4b:s10+s3], $0x80, v4, vm0, $0xb8;
	[tilespmem:$0x18100] =	vst v63  }
0x1de: {  	s19 =	simm.s32 $0xB900  }
0x1df: {  	[tilespmem:s19], [sflag:$0x2] =	stream.indirect_vreg.gather [hbm4b:s11+s3], $0x80, v4, vm0, $0xb8;
	[tilespmem:$0x18100] =	vst v63  }
0x1e0: {  	s18 =	simm.s32 $0xC100  }
0x1e1: {  	[tilespmem:s18], [sflag:$0x2] =	stream.indirect_vreg.gather [hbm4b:s1+s3], $0x80, v3, vm0, $0xb8;
	[tilespmem:$0x18100] =	vst v63  }
0x1e2: {  	s19 =	simm.s32 $0xC900  }
0x1e3: {  	[tilespmem:s19], [sflag:$0x2] =	stream.indirect_vreg.gather [hbm4b:s5+s3], $0x80, v3, vm0, $0xb8;
	[tilespmem:$0x18100] =	vst v63  }
0x1e4: {  	s18 =	simm.s32 $0xD100  }
0x1e5: {  	[tilespmem:s18], [sflag:$0x2] =	stream.indirect_vreg.gather [hbm4b:s6+s3], $0x80, v3, vm0, $0xb8;
	[tilespmem:$0x18100] =	vst v63  }
0x1e6: {  	s19 =	simm.s32 $0xD900  }
0x1e7: {  	[tilespmem:s19], [sflag:$0x2] =	stream.indirect_vreg.gather [hbm4b:s7+s3], $0x80, v3, vm0, $0xb8;
	[tilespmem:$0x18100] =	vst v63  }
0x1e8: {  	s18 =	simm.s32 $0xE100  }
0x1e9: {  	[tilespmem:s18], [sflag:$0x2] =	stream.indirect_vreg.gather [hbm4b:s8+s3], $0x80, v3, vm0, $0xb8;
	[tilespmem:$0x18100] =	vst v63  }
0x1ea: {  	s19 =	simm.s32 $0xE900  }
0x1eb: {  	[tilespmem:s19], [sflag:$0x2] =	stream.indirect_vreg.gather [hbm4b:s9+s3], $0x80, v3, vm0, $0xb8;
	[tilespmem:$0x18100] =	vst v63  }
0x1ec: {  	s18 =	simm.s32 $0xF100  }
0x1ed: {  	[tilespmem:s18], [sflag:$0x2] =	stream.indirect_vreg.gather [hbm4b:s10+s3], $0x80, v3, vm0, $0xb8;
	[tilespmem:$0x18100] =	vst v63  }
0x1ee: {  	s19 =	simm.s32 $0xF900  }
0x1ef: {  	[tilespmem:s19], [sflag:$0x2] =	stream.indirect_vreg.gather [hbm4b:s11+s3], $0x80, v3, vm0, $0xb8;
	[tilespmem:$0x18100] =	vst v63  }
0x1f0: {  	_ =	swait.ge [sflag:s16], $0x8000  }
0x1f1: {  	[sflag:s16] =	ssyncset.done $0x0  }
0x1f2: {  	s12 =	simm.s32 $0x10100;
	s4 =	rddreg [dreg:$0xc];
	[sflag:s16] =	ssyncadd.s32 $0xFFFF8000  }
0x1f3: {  	[hbm4b:s4+s3] =	stream.linear.scatter [tilespmem:s12], [sflag:$0x6], $0x8000, $0x38;
	[tilespmem:$0x18100] =	vst v63  }
0x1f4: {  	_ =	swait.ge [sflag:s17], $0x8000  }
0x1f5: {  	[sflag:s17] =	ssyncset.done $0x0  }
0x1f6: {  	[sflag:s17] =	ssyncadd.s32 $0xFFFF8000  }
0x1f7: {  	v3 =	vld [tilespmem:$0xB0];
	_ =	sdelay $0x4  }
0x1f8: {  	v59 =	vshll.u32 v3, $0x4  }
0x1f9: {  	v3 =	vand.u32 $0x7, v3;
	v4 =	vand.u32 $0xFFFFFF80, v59  }
0x1fa: {  	v3 =	vor.u32 v3, v4  }
0x1fb: {  	v4 =	vperm.xlane v3, v0;
	_ =	sdelay $0x1  }
0x1fc: {  	v4 =	vadd.s32 v1, v4;
	_ =	sdelay $0x4  }
0x1fd: {  	[tilespmem:s12], [sflag:$0x3] =	stream.indirect_vreg.gather [hbm4b:s1+s3], $0x80, v4, vm0, $0xb8;
	[tilespmem:$0x18100] =	vst v63  }
0x1fe: {  	_ = 	snop  }
0x1ff: {  	[tilespmem:s14], [sflag:$0x3] =	stream.indirect_vreg.gather [hbm4b:s5+s3], $0x80, v4, vm0, $0xb8;
	[tilespmem:$0x18100] =	vst v63  }
0x200: {  	s19 =	simm.s32 $0x11100  }
0x201: {  	[tilespmem:s19], [sflag:$0x3] =	stream.indirect_vreg.gather [hbm4b:s6+s3], $0x80, v4, vm0, $0xb8;
	[tilespmem:$0x18100] =	vst v63  }
0x202: {  	s12 =	simm.s32 $0x11900  }
0x203: {  	[tilespmem:s12], [sflag:$0x3] =	stream.indirect_vreg.gather [hbm4b:s7+s3], $0x80, v4, vm0, $0xb8;
	[tilespmem:$0x18100] =	vst v63  }
0x204: {  	s14 =	simm.s32 $0x12100  }
0x205: {  	[tilespmem:s14], [sflag:$0x3] =	stream.indirect_vreg.gather [hbm4b:s8+s3], $0x80, v4, vm0, $0xb8;
	[tilespmem:$0x18100] =	vst v63  }
0x206: {  	s18 =	simm.s32 $0x12900;
	v3 =	vperm.xlane v3, v2  }
0x207: {  	[tilespmem:s18], [sflag:$0x3] =	stream.indirect_vreg.gather [hbm4b:s9+s3], $0x80, v4, vm0, $0xb8;
	[tilespmem:$0x18100] =	vst v63  }
0x208: {  	v3 =	vadd.s32 v1, v3;
	s19 =	simm.s32 $0x13100  }
0x209: {  	[tilespmem:s19], [sflag:$0x3] =	stream.indirect_vreg.gather [hbm4b:s10+s3], $0x80, v4, vm0, $0xb8;
	[tilespmem:$0x18100] =	vst v63  }
0x20a: {  	s12 =	simm.s32 $0x13900  }
0x20b: {  	[tilespmem:s12], [sflag:$0x3] =	stream.indirect_vreg.gather [hbm4b:s11+s3], $0x80, v4, vm0, $0xb8;
	[tilespmem:$0x18100] =	vst v63  }
0x20c: {  	s14 =	simm.s32 $0x14100  }
0x20d: {  	[tilespmem:s14], [sflag:$0x3] =	stream.indirect_vreg.gather [hbm4b:s1+s3], $0x80, v3, vm0, $0xb8;
	[tilespmem:$0x18100] =	vst v63  }
0x20e: {  	s18 =	simm.s32 $0x14900  }
0x20f: {  	[tilespmem:s18], [sflag:$0x3] =	stream.indirect_vreg.gather [hbm4b:s5+s3], $0x80, v3, vm0, $0xb8;
	[tilespmem:$0x18100] =	vst v63  }
0x210: {  	s19 =	simm.s32 $0x15100  }
0x211: {  	[tilespmem:s19], [sflag:$0x3] =	stream.indirect_vreg.gather [hbm4b:s6+s3], $0x80, v3, vm0, $0xb8;
	[tilespmem:$0x18100] =	vst v63  }
0x212: {  	s12 =	simm.s32 $0x15900  }
0x213: {  	[tilespmem:s12], [sflag:$0x3] =	stream.indirect_vreg.gather [hbm4b:s7+s3], $0x80, v3, vm0, $0xb8;
	[tilespmem:$0x18100] =	vst v63  }
0x214: {  	s14 =	simm.s32 $0x16100  }
0x215: {  	[tilespmem:s14], [sflag:$0x3] =	stream.indirect_vreg.gather [hbm4b:s8+s3], $0x80, v3, vm0, $0xb8;
	[tilespmem:$0x18100] =	vst v63  }
0x216: {  	s18 =	simm.s32 $0x16900  }
0x217: {  	[tilespmem:s18], [sflag:$0x3] =	stream.indirect_vreg.gather [hbm4b:s9+s3], $0x80, v3, vm0, $0xb8;
	[tilespmem:$0x18100] =	vst v63  }
0x218: {  	s19 =	simm.s32 $0x17100  }
0x219: {  	[tilespmem:s19], [sflag:$0x3] =	stream.indirect_vreg.gather [hbm4b:s10+s3], $0x80, v3, vm0, $0xb8;
	[tilespmem:$0x18100] =	vst v63  }
0x21a: {  	s12 =	simm.s32 $0x17900  }
0x21b: {  	[tilespmem:s12], [sflag:$0x3] =	stream.indirect_vreg.gather [hbm4b:s11+s3], $0x80, v3, vm0, $0xb8;
	[tilespmem:$0x18100] =	vst v63  }
0x21c: {  	_ =	swait.ge [sflag:s2], $0x8000  }
0x21d: {  	[sflag:s2] =	ssyncset.done $0x0  }
0x21e: {  	s14 =	rddreg [dreg:$0xd];
	[sflag:s2] =	ssyncadd.s32 $0xFFFF8000  }
0x21f: {  	[hbm4b:s14+s3] =	stream.linear.scatter [tilespmem:s21], [sflag:$0x4], $0x8000, $0x38;
	[tilespmem:$0x18100] =	vst v63  }
0x220: {  	_ =	swait.ge [sflag:s0], $0x8000  }
0x221: {  	[sflag:s0] =	ssyncset.done $0x0  }
0x222: {  	[sflag:s0] =	ssyncadd.s32 $0xFFFF8000  }
0x223: {  	v3 =	vld [tilespmem:$0xC0];
	_ =	sdelay $0x4  }
0x224: {  	v60 =	vshll.u32 v3, $0x4  }
0x225: {  	v3 =	vand.u32 $0x7, v3;
	v4 =	vand.u32 $0xFFFFFF80, v60  }
0x226: {  	v3 =	vor.u32 v3, v4  }
0x227: {  	v4 =	vperm.xlane v3, v0;
	_ =	sdelay $0x1  }
0x228: {  	v4 =	vadd.s32 v1, v4;
	_ =	sdelay $0x4  }
0x229: {  	[tilespmem:s21], [sflag:$0x1] =	stream.indirect_vreg.gather [hbm4b:s1+s3], $0x80, v4, vm0, $0xb8;
	[tilespmem:$0x18100] =	vst v63  }
0x22a: {  	_ = 	snop  }
0x22b: {  	[tilespmem:s20], [sflag:$0x1] =	stream.indirect_vreg.gather [hbm4b:s5+s3], $0x80, v4, vm0, $0xb8;
	[tilespmem:$0x18100] =	vst v63  }
0x22c: {  	s19 =	simm.s32 $0x1100  }
0x22d: {  	[tilespmem:s19], [sflag:$0x1] =	stream.indirect_vreg.gather [hbm4b:s6+s3], $0x80, v4, vm0, $0xb8;
	[tilespmem:$0x18100] =	vst v63  }
0x22e: {  	_ = 	snop  }
0x22f: {  	[tilespmem:s13], [sflag:$0x1] =	stream.indirect_vreg.gather [hbm4b:s7+s3], $0x80, v4, vm0, $0xb8;
	[tilespmem:$0x18100] =	vst v63  }
0x230: {  	_ = 	snop  }
0x231: {  	[tilespmem:s30], [sflag:$0x1] =	stream.indirect_vreg.gather [hbm4b:s8+s3], $0x80, v4, vm0, $0xb8;
	[tilespmem:$0x18100] =	vst v63  }
0x232: {  	v3 =	vperm.xlane v3, v2  }
0x233: {  	[tilespmem:s31], [sflag:$0x1] =	stream.indirect_vreg.gather [hbm4b:s9+s3], $0x80, v4, vm0, $0xb8;
	[tilespmem:$0x18100] =	vst v63  }
0x234: {  	v3 =	vadd.s32 v1, v3;
	s20 =	simm.s32 $0x3100  }
0x235: {  	[tilespmem:s20], [sflag:$0x1] =	stream.indirect_vreg.gather [hbm4b:s10+s3], $0x80, v4, vm0, $0xb8;
	[tilespmem:$0x18100] =	vst v63  }
0x236: {  	s12 =	simm.s32 $0x3900  }
0x237: {  	[tilespmem:s12], [sflag:$0x1] =	stream.indirect_vreg.gather [hbm4b:s11+s3], $0x80, v4, vm0, $0xb8;
	[tilespmem:$0x18100] =	vst v63  }
0x238: {  	s18 =	simm.s32 $0x4100  }
0x239: {  	[tilespmem:s18], [sflag:$0x1] =	stream.indirect_vreg.gather [hbm4b:s1+s3], $0x80, v3, vm0, $0xb8;
	[tilespmem:$0x18100] =	vst v63  }
0x23a: {  	_ = 	snop  }
0x23b: {  	[tilespmem:s23], [sflag:$0x1] =	stream.indirect_vreg.gather [hbm4b:s5+s3], $0x80, v3, vm0, $0xb8;
	[tilespmem:$0x18100] =	vst v63  }
0x23c: {  	_ = 	snop  }
0x23d: {  	[tilespmem:s24], [sflag:$0x1] =	stream.indirect_vreg.gather [hbm4b:s6+s3], $0x80, v3, vm0, $0xb8;
	[tilespmem:$0x18100] =	vst v63  }
0x23e: {  	_ = 	snop  }
0x23f: {  	[tilespmem:s25], [sflag:$0x1] =	stream.indirect_vreg.gather [hbm4b:s7+s3], $0x80, v3, vm0, $0xb8;
	[tilespmem:$0x18100] =	vst v63  }
0x240: {  	_ = 	snop  }
0x241: {  	[tilespmem:s26], [sflag:$0x1] =	stream.indirect_vreg.gather [hbm4b:s8+s3], $0x80, v3, vm0, $0xb8;
	[tilespmem:$0x18100] =	vst v63  }
0x242: {  	_ = 	snop  }
0x243: {  	[tilespmem:s28], [sflag:$0x1] =	stream.indirect_vreg.gather [hbm4b:s9+s3], $0x80, v3, vm0, $0xb8;
	[tilespmem:$0x18100] =	vst v63  }
0x244: {  	_ = 	snop  }
0x245: {  	[tilespmem:s29], [sflag:$0x1] =	stream.indirect_vreg.gather [hbm4b:s10+s3], $0x80, v3, vm0, $0xb8;
	[tilespmem:$0x18100] =	vst v63  }
0x246: {  	s20 =	simm.s32 $0x7900  }
0x247: {  	[tilespmem:s20], [sflag:$0x1] =	stream.indirect_vreg.gather [hbm4b:s11+s3], $0x80, v3, vm0, $0xb8;
	[tilespmem:$0x18100] =	vst v63  }
0x248: {  	_ =	swait.ge [sflag:s22], $0x8000  }
0x249: {  	[sflag:s22] =	ssyncset.done $0x0  }
0x24a: {  	s20 =	simm.s32 $0x8100;
	s4 =	rddreg [dreg:$0xe];
	[sflag:s22] =	ssyncadd.s32 $0xFFFF8000  }
0x24b: {  	[hbm4b:s4+s3] =	stream.linear.scatter [tilespmem:s20], [sflag:$0x5], $0x8000, $0x38;
	[tilespmem:$0x18100] =	vst v63  }
0x24c: {  	_ =	swait.ge [sflag:s15], $0x8000  }
0x24d: {  	[sflag:s15] =	ssyncset.done $0x0  }
0x24e: {  	[sflag:s15] =	ssyncadd.s32 $0xFFFF8000  }
0x24f: {  	v3 =	vld [tilespmem:$0xD0];
	_ =	sdelay $0x4  }
0x250: {  	v61 =	vshll.u32 v3, $0x4  }
0x251: {  	v3 =	vand.u32 $0x7, v3;
	v4 =	vand.u32 $0xFFFFFF80, v61  }
0x252: {  	v3 =	vor.u32 v3, v4  }
0x253: {  	v4 =	vperm.xlane v3, v0;
	_ =	sdelay $0x1  }
0x254: {  	v4 =	vadd.s32 v1, v4;
	_ =	sdelay $0x4  }
0x255: {  	[tilespmem:s20], [sflag:$0x2] =	stream.indirect_vreg.gather [hbm4b:s1+s3], $0x80, v4, vm0, $0xb8;
	[tilespmem:$0x18100] =	vst v63  }
0x256: {  	s20 =	simm.s32 $0x8900  }
0x257: {  	[tilespmem:s20], [sflag:$0x2] =	stream.indirect_vreg.gather [hbm4b:s5+s3], $0x80, v4, vm0, $0xb8;
	[tilespmem:$0x18100] =	vst v63  }
0x258: {  	s20 =	simm.s32 $0x9100  }
0x259: {  	[tilespmem:s20], [sflag:$0x2] =	stream.indirect_vreg.gather [hbm4b:s6+s3], $0x80, v4, vm0, $0xb8;
	[tilespmem:$0x18100] =	vst v63  }
0x25a: {  	s20 =	simm.s32 $0x9900  }
0x25b: {  	[tilespmem:s20], [sflag:$0x2] =	stream.indirect_vreg.gather [hbm4b:s7+s3], $0x80, v4, vm0, $0xb8;
	[tilespmem:$0x18100] =	vst v63  }
0x25c: {  	s20 =	simm.s32 $0xA100  }
0x25d: {  	[tilespmem:s20], [sflag:$0x2] =	stream.indirect_vreg.gather [hbm4b:s8+s3], $0x80, v4, vm0, $0xb8;
	[tilespmem:$0x18100] =	vst v63  }
0x25e: {  	v3 =	vperm.xlane v3, v2;
	s20 =	simm.s32 $0xA900  }
0x25f: {  	[tilespmem:s20], [sflag:$0x2] =	stream.indirect_vreg.gather [hbm4b:s9+s3], $0x80, v4, vm0, $0xb8;
	[tilespmem:$0x18100] =	vst v63  }
0x260: {  	v3 =	vadd.s32 v1, v3;
	s20 =	simm.s32 $0xB100  }
0x261: {  	[tilespmem:s20], [sflag:$0x2] =	stream.indirect_vreg.gather [hbm4b:s10+s3], $0x80, v4, vm0, $0xb8;
	[tilespmem:$0x18100] =	vst v63  }
0x262: {  	s20 =	simm.s32 $0xB900  }
0x263: {  	[tilespmem:s20], [sflag:$0x2] =	stream.indirect_vreg.gather [hbm4b:s11+s3], $0x80, v4, vm0, $0xb8;
	[tilespmem:$0x18100] =	vst v63  }
0x264: {  	s20 =	simm.s32 $0xC100  }
0x265: {  	[tilespmem:s20], [sflag:$0x2] =	stream.indirect_vreg.gather [hbm4b:s1+s3], $0x80, v3, vm0, $0xb8;
	[tilespmem:$0x18100] =	vst v63  }
0x266: {  	s20 =	simm.s32 $0xC900  }
0x267: {  	[tilespmem:s20], [sflag:$0x2] =	stream.indirect_vreg.gather [hbm4b:s5+s3], $0x80, v3, vm0, $0xb8;
	[tilespmem:$0x18100] =	vst v63  }
0x268: {  	s20 =	simm.s32 $0xD100  }
0x269: {  	[tilespmem:s20], [sflag:$0x2] =	stream.indirect_vreg.gather [hbm4b:s6+s3], $0x80, v3, vm0, $0xb8;
	[tilespmem:$0x18100] =	vst v63  }
0x26a: {  	s20 =	simm.s32 $0xD900  }
0x26b: {  	[tilespmem:s20], [sflag:$0x2] =	stream.indirect_vreg.gather [hbm4b:s7+s3], $0x80, v3, vm0, $0xb8;
	[tilespmem:$0x18100] =	vst v63  }
0x26c: {  	s20 =	simm.s32 $0xE100  }
0x26d: {  	[tilespmem:s20], [sflag:$0x2] =	stream.indirect_vreg.gather [hbm4b:s8+s3], $0x80, v3, vm0, $0xb8;
	[tilespmem:$0x18100] =	vst v63  }
0x26e: {  	s20 =	simm.s32 $0xE900  }
0x26f: {  	[tilespmem:s20], [sflag:$0x2] =	stream.indirect_vreg.gather [hbm4b:s9+s3], $0x80, v3, vm0, $0xb8;
	[tilespmem:$0x18100] =	vst v63  }
0x270: {  	s20 =	simm.s32 $0xF100  }
0x271: {  	[tilespmem:s20], [sflag:$0x2] =	stream.indirect_vreg.gather [hbm4b:s10+s3], $0x80, v3, vm0, $0xb8;
	[tilespmem:$0x18100] =	vst v63  }
0x272: {  	s20 =	simm.s32 $0xF900  }
0x273: {  	[tilespmem:s20], [sflag:$0x2] =	stream.indirect_vreg.gather [hbm4b:s11+s3], $0x80, v3, vm0, $0xb8;
	[tilespmem:$0x18100] =	vst v63  }
0x274: {  	_ =	swait.ge [sflag:s16], $0x8000  }
0x275: {  	[sflag:s16] =	ssyncset.done $0x0  }
0x276: {  	s20 =	simm.s32 $0x10100;
	s18 =	rddreg [dreg:$0xf];
	[sflag:s16] =	ssyncadd.s32 $0xFFFF8000  }
0x277: {  	[hbm4b:s18+s3] =	stream.linear.scatter [tilespmem:s20], [sflag:$0x6], $0x8000, $0x38;
	[tilespmem:$0x18100] =	vst v63  }
0x278: {  	_ =	swait.ge [sflag:s17], $0x8000  }
0x279: {  	[sflag:s17] =	ssyncset.done $0x0  }
0x27a: {  	[sflag:s17] =	ssyncadd.s32 $0xFFFF8000  }
0x27b: {  	v3 =	vld [tilespmem:$0xE0];
	_ =	sdelay $0x4  }
0x27c: {  	v62 =	vshll.u32 v3, $0x4  }
0x27d: {  	v3 =	vand.u32 $0x7, v3;
	v4 =	vand.u32 $0xFFFFFF80, v62  }
0x27e: {  	v3 =	vor.u32 v3, v4  }
0x27f: {  	v4 =	vperm.xlane v3, v0;
	_ =	sdelay $0x1  }
0x280: {  	v4 =	vadd.s32 v1, v4;
	_ =	sdelay $0x4  }
0x281: {  	[tilespmem:s20], [sflag:$0x3] =	stream.indirect_vreg.gather [hbm4b:s1+s3], $0x80, v4, vm0, $0xb8;
	[tilespmem:$0x18100] =	vst v63  }
0x282: {  	s18 =	simm.s32 $0x10900  }
0x283: {  	[tilespmem:s18], [sflag:$0x3] =	stream.indirect_vreg.gather [hbm4b:s5+s3], $0x80, v4, vm0, $0xb8;
	[tilespmem:$0x18100] =	vst v63  }
0x284: {  	s18 =	simm.s32 $0x11100  }
0x285: {  	[tilespmem:s18], [sflag:$0x3] =	stream.indirect_vreg.gather [hbm4b:s6+s3], $0x80, v4, vm0, $0xb8;
	[tilespmem:$0x18100] =	vst v63  }
0x286: {  	s18 =	simm.s32 $0x11900  }
0x287: {  	[tilespmem:s18], [sflag:$0x3] =	stream.indirect_vreg.gather [hbm4b:s7+s3], $0x80, v4, vm0, $0xb8;
	[tilespmem:$0x18100] =	vst v63  }
0x288: {  	s18 =	simm.s32 $0x12100  }
0x289: {  	[tilespmem:s18], [sflag:$0x3] =	stream.indirect_vreg.gather [hbm4b:s8+s3], $0x80, v4, vm0, $0xb8;
	[tilespmem:$0x18100] =	vst v63  }
0x28a: {  	v3 =	vperm.xlane v3, v2;
	s18 =	simm.s32 $0x12900  }
0x28b: {  	[tilespmem:s18], [sflag:$0x3] =	stream.indirect_vreg.gather [hbm4b:s9+s3], $0x80, v4, vm0, $0xb8;
	[tilespmem:$0x18100] =	vst v63  }
0x28c: {  	v3 =	vadd.s32 v1, v3;
	s18 =	simm.s32 $0x13100  }
0x28d: {  	[tilespmem:s18], [sflag:$0x3] =	stream.indirect_vreg.gather [hbm4b:s10+s3], $0x80, v4, vm0, $0xb8;
	[tilespmem:$0x18100] =	vst v63  }
0x28e: {  	s18 =	simm.s32 $0x13900  }
0x28f: {  	[tilespmem:s18], [sflag:$0x3] =	stream.indirect_vreg.gather [hbm4b:s11+s3], $0x80, v4, vm0, $0xb8;
	[tilespmem:$0x18100] =	vst v63  }
0x290: {  	s18 =	simm.s32 $0x14100  }
0x291: {  	[tilespmem:s18], [sflag:$0x3] =	stream.indirect_vreg.gather [hbm4b:s1+s3], $0x80, v3, vm0, $0xb8;
	[tilespmem:$0x18100] =	vst v63  }
0x292: {  	s18 =	simm.s32 $0x14900  }
0x293: {  	[tilespmem:s18], [sflag:$0x3] =	stream.indirect_vreg.gather [hbm4b:s5+s3], $0x80, v3, vm0, $0xb8;
	[tilespmem:$0x18100] =	vst v63  }
0x294: {  	s18 =	simm.s32 $0x15100  }
0x295: {  	[tilespmem:s18], [sflag:$0x3] =	stream.indirect_vreg.gather [hbm4b:s6+s3], $0x80, v3, vm0, $0xb8;
	[tilespmem:$0x18100] =	vst v63  }
0x296: {  	s18 =	simm.s32 $0x15900  }
0x297: {  	[tilespmem:s18], [sflag:$0x3] =	stream.indirect_vreg.gather [hbm4b:s7+s3], $0x80, v3, vm0, $0xb8;
	[tilespmem:$0x18100] =	vst v63  }
0x298: {  	s18 =	simm.s32 $0x16100  }
0x299: {  	[tilespmem:s18], [sflag:$0x3] =	stream.indirect_vreg.gather [hbm4b:s8+s3], $0x80, v3, vm0, $0xb8;
	[tilespmem:$0x18100] =	vst v63  }
0x29a: {  	s18 =	simm.s32 $0x16900  }
0x29b: {  	[tilespmem:s18], [sflag:$0x3] =	stream.indirect_vreg.gather [hbm4b:s9+s3], $0x80, v3, vm0, $0xb8;
	[tilespmem:$0x18100] =	vst v63  }
0x29c: {  	s18 =	simm.s32 $0x17100  }
0x29d: {  	[tilespmem:s18], [sflag:$0x3] =	stream.indirect_vreg.gather [hbm4b:s10+s3], $0x80, v3, vm0, $0xb8;
	[tilespmem:$0x18100] =	vst v63  }
0x29e: {  	s18 =	simm.s32 $0x17900  }
0x29f: {  	[tilespmem:s18], [sflag:$0x3] =	stream.indirect_vreg.gather [hbm4b:s11+s3], $0x80, v3, vm0, $0xb8;
	[tilespmem:$0x18100] =	vst v63  }
0x2a0: {  	_ =	swait.ge [sflag:s2], $0x8000  }
0x2a1: {  	[sflag:s2] =	ssyncset.done $0x0  }
0x2a2: {  	s18 =	rddreg [dreg:$0x10];
	[sflag:s2] =	ssyncadd.s32 $0xFFFF8000  }
0x2a3: {  	[hbm4b:s18+s3] =	stream.linear.scatter [tilespmem:s21], [sflag:$0x4], $0x8000, $0x38;
	[tilespmem:$0x18100] =	vst v63  }
0x2a4: {  	_ =	swait.ge [sflag:s0], $0x8000  }
0x2a5: {  	[sflag:s0] =	ssyncset.done $0x0  }
0x2a6: {  	[sflag:s0] =	ssyncadd.s32 $0xFFFF8000  }
0x2a7: {  	v3 =	vld [tilespmem:$0xF0];
	_ =	sdelay $0x4  }
0x2a8: {  	v63 =	vshll.u32 v3, $0x4  }
0x2a9: {  	v3 =	vand.u32 $0x7, v3;
	v4 =	vand.u32 $0xFFFFFF80, v63  }
0x2aa: {  	v3 =	vor.u32 v3, v4  }
0x2ab: {  	v4 =	vperm.xlane v3, v0;
	_ =	sdelay $0x1  }
0x2ac: {  	v4 =	vadd.s32 v1, v4;
	_ =	sdelay $0x4  }
0x2ad: {  	[tilespmem:s21], [sflag:$0x1] =	stream.indirect_vreg.gather [hbm4b:s1+s3], $0x80, v4, vm0, $0xb8;
	[tilespmem:$0x18100] =	vst v63  }
0x2ae: {  	s18 =	simm.s32 $0x900  }
0x2af: {  	[tilespmem:s18], [sflag:$0x1] =	stream.indirect_vreg.gather [hbm4b:s5+s3], $0x80, v4, vm0, $0xb8;
	[tilespmem:$0x18100] =	vst v63  }
0x2b0: {  	s18 =	simm.s32 $0x1100  }
0x2b1: {  	[tilespmem:s18], [sflag:$0x1] =	stream.indirect_vreg.gather [hbm4b:s6+s3], $0x80, v4, vm0, $0xb8;
	[tilespmem:$0x18100] =	vst v63  }
0x2b2: {  	s13 =	simm.s32 $0x1900  }
0x2b3: {  	[tilespmem:s13], [sflag:$0x1] =	stream.indirect_vreg.gather [hbm4b:s7+s3], $0x80, v4, vm0, $0xb8;
	[tilespmem:$0x18100] =	vst v63  }
0x2b4: {  	s30 =	simm.s32 $0x2100  }
0x2b5: {  	[tilespmem:s30], [sflag:$0x1] =	stream.indirect_vreg.gather [hbm4b:s8+s3], $0x80, v4, vm0, $0xb8;
	[tilespmem:$0x18100] =	vst v63  }
0x2b6: {  	s31 =	simm.s32 $0x2900;
	v3 =	vperm.xlane v3, v2  }
0x2b7: {  	[tilespmem:s31], [sflag:$0x1] =	stream.indirect_vreg.gather [hbm4b:s9+s3], $0x80, v4, vm0, $0xb8;
	[tilespmem:$0x18100] =	vst v63  }
0x2b8: {  	s14 =	simm.s32 $0x3100;
	v3 =	vadd.s32 v1, v3  }
0x2b9: {  	[tilespmem:s14], [sflag:$0x1] =	stream.indirect_vreg.gather [hbm4b:s10+s3], $0x80, v4, vm0, $0xb8;
	[tilespmem:$0x18100] =	vst v63  }
0x2ba: {  	s19 =	simm.s32 $0x3900  }
0x2bb: {  	[tilespmem:s19], [sflag:$0x1] =	stream.indirect_vreg.gather [hbm4b:s11+s3], $0x80, v4, vm0, $0xb8;
	[tilespmem:$0x18100] =	vst v63  }
0x2bc: {  	s12 =	simm.s32 $0x4100  }
0x2bd: {  	[tilespmem:s12], [sflag:$0x1] =	stream.indirect_vreg.gather [hbm4b:s1+s3], $0x80, v3, vm0, $0xb8;
	[tilespmem:$0x18100] =	vst v63  }
0x2be: {  	s23 =	simm.s32 $0x4900  }
0x2bf: {  	[tilespmem:s23], [sflag:$0x1] =	stream.indirect_vreg.gather [hbm4b:s5+s3], $0x80, v3, vm0, $0xb8;
	[tilespmem:$0x18100] =	vst v63  }
0x2c0: {  	s24 =	simm.s32 $0x5100  }
0x2c1: {  	[tilespmem:s24], [sflag:$0x1] =	stream.indirect_vreg.gather [hbm4b:s6+s3], $0x80, v3, vm0, $0xb8;
	[tilespmem:$0x18100] =	vst v63  }
0x2c2: {  	s25 =	simm.s32 $0x5900  }
0x2c3: {  	[tilespmem:s25], [sflag:$0x1] =	stream.indirect_vreg.gather [hbm4b:s7+s3], $0x80, v3, vm0, $0xb8;
	[tilespmem:$0x18100] =	vst v63  }
0x2c4: {  	s26 =	simm.s32 $0x6100  }
0x2c5: {  	[tilespmem:s26], [sflag:$0x1] =	stream.indirect_vreg.gather [hbm4b:s8+s3], $0x80, v3, vm0, $0xb8;
	[tilespmem:$0x18100] =	vst v63  }
0x2c6: {  	s28 =	simm.s32 $0x6900  }
0x2c7: {  	[tilespmem:s28], [sflag:$0x1] =	stream.indirect_vreg.gather [hbm4b:s9+s3], $0x80, v3, vm0, $0xb8;
	[tilespmem:$0x18100] =	vst v63  }
0x2c8: {  	s29 =	simm.s32 $0x7100  }
0x2c9: {  	[tilespmem:s29], [sflag:$0x1] =	stream.indirect_vreg.gather [hbm4b:s10+s3], $0x80, v3, vm0, $0xb8;
	[tilespmem:$0x18100] =	vst v63  }
0x2ca: {  	s26 =	simm.s32 $0x7900  }
0x2cb: {  	[tilespmem:s26], [sflag:$0x1] =	stream.indirect_vreg.gather [hbm4b:s11+s3], $0x80, v3, vm0, $0xb8;
	[tilespmem:$0x18100] =	vst v63  }
0x2cc: {  	_ =	swait.ge [sflag:s22], $0x8000  }
0x2cd: {  	[sflag:s22] =	ssyncset.done $0x0  }
0x2ce: {  	s4 =	simm.s32 $0x8100;
	s28 =	rddreg [dreg:$0x11];
	[sflag:s22] =	ssyncadd.s32 $0xFFFF8000  }
0x2cf: {  	[hbm4b:s28+s3] =	stream.linear.scatter [tilespmem:s4], [sflag:$0x5], $0x8000, $0x38;
	[tilespmem:$0x18100] =	vst v63  }
0x2d0: {  	_ =	swait.ge [sflag:s16], $0x8000  }
0x2d1: {  	[sflag:s16] =	ssyncset.done $0x0  }
0x2d2: {  	s20 =	simm.s32 $0x10100;
	s29 =	rddreg [dreg:$0x12];
	[sflag:s16] =	ssyncadd.s32 $0xFFFF8000  }
0x2d3: {  	[hbm4b:s29+s3] =	stream.linear.scatter [tilespmem:s20], [sflag:$0x6], $0x8000, $0x38;
	[tilespmem:$0x18100] =	vst v63  }
0x2d4: {  	_ =	swait.ge [sflag:s2], $0x8000  }
0x2d5: {  	[sflag:s2] =	ssyncset.done $0x0  }
0x2d6: {  	s30 =	rddreg [dreg:$0x13];
	[sflag:s2] =	ssyncadd.s32 $0xFFFF8000  }
0x2d7: {  	[hbm4b:s30+s3] =	stream.linear.scatter [tilespmem:s21], [sflag:$0x4], $0x8000, $0x38;
	[tilespmem:$0x18100] =	vst v63  }
0x2d8: {  	s31 =	rddreg [dreg:$0x15];
	_ =	swait.ge [sflag:s0], $0x8000  }
0x2d9: {  	[sflag:s0] =	ssyncset.done $0x0  }
0x2da: {  	[sflag:s0] =	ssyncadd.s32 $0xFFFF8000  }
0x2db: {  	p0 =	sne.s32 s31, $0x1;
	_ =	swait.ge [sflag:s15], $0x8000  }
.Ltmp0:
0x2dc: {  	[sflag:s15] =	ssyncset.done $0x0;
	(pc) =	sbr.rel @p0 .LBB2_1-.Ltmp0, $4  }
0x2dd: {  	[sflag:s15] =	ssyncadd.s32 $0xFFFF8000  }
0x2de: {  	_ =	swait.ge [sflag:s17], $0x8000  }
0x2df: {  	[sflag:s17] =	ssyncset.done $0x0  }
0x2e0: {  	s12 =	sadd.s32 $0xFFFFFFFF, s31;
	[sflag:s17] =	ssyncadd.s32 $0xFFFF8000  }
0x2e1: {  	_ =	sfence.sel $0x180000  }
0x2e2: {  	[bflag:$0x0] =	sbarrier.arrive $0xFFFF  }
0x2e3: {  	_ =	strace $0x90000047  }
0x2e4: {  	s0 =	stileid.u32;
	[bflag:$0x2] =	sbarrier.arrive $0xFFFF  }
0x2e5: {  	p0 =	sne.s32 s0, $0x0;
	s0 =	rddreg [dreg:$0x3]  }
0x2e6: {  	s0 =	sadd.s32 @!p0 $0x100000, s0  }
0x2e7: {  	[sflag:s0] =	ssyncadd.tile.s32 @!p0 $0x1;
	_ =	shalt  }
.Lfunc_end2:
_tile_overlayer_lowered:
.L_overlay_start_2:
0x2e8: {  	(tag) =	ssettag $0x2  }
0x2e9: {  	s0 =	rddreg [dreg:$0x0];
	s2 =	stileid.u32  }
0x2ea: {  	s1 =	rddreg [dreg:$0x1];
	p0 =	sne.s32 s2, $0x0  }
0x2eb: {  	s3 =	rddreg [dreg:$0x2];
	[bflag:$0x3] =	sbarrier.arrive $0xFFFF;
	s2 =	simm.s32 @!p0 $0x1C07  }
0x2ec: {  	[timem:s3], [sflag:s2] =	dma.local @!p0 [hbm:s0], s1  }
0x2ed: {  	s0 =	simm.s32 @!p0 $0x7  }
0x2ee: {  	_ =	swait.ge @!p0 [sflag:s0], s1  }
0x2ef: {  	s1 =	ssub.s32 @!p0 $0x0, s1;
	[sflag:s0] =	ssyncset.done @!p0 $0x0  }
0x2f0: {  	[sflag:s0] =	ssyncadd.s32 @!p0 s1  }
0x2f1: {  	[bflag:$0x3] =	sbarrier.arrive $0xFFFF  }
0x2f2: {  	_ =	shalt  }

</sc_bundles>
